<compile_context>
chip_gen: v7x
topology: tpu7x:2x2x1
jax: 0.10.2.dev20260603
libtpu: 0.0.44.dev20260713+nightly
codegen_flags: <defaults>
</compile_context>

<pallas_src>
import functools

import numpy as np
import jax
import jax.numpy as jnp
from jax import lax
from jax.experimental import pallas as pl
from jax.experimental.pallas import tpu as pltpu
from jax.experimental.pallas import tpu_sc as plsc

NUM_CLIPS = 10
CLIP_LEN = 100
THRESHOLD = 0.01
W = 960.0
H = 576.0
NUM_PERSON = 2
V = 17
C = 3
D = V * C
LANES = 128
CLIP_W = CLIP_LEN * D
CLIP_PAD = 5120
ROWS_PER_CLIP = 41
NW = 32
B_SC = 128



def _rotl(x, n):
    return ((x << np.uint32(n)) | (x >> np.uint32(32 - n))).astype(np.uint32)


def _tf2x32(k0, k1, x0, x1):
    ks0 = np.uint32(k0)
    ks1 = np.uint32(k1)
    ks2 = np.uint32(ks0 ^ ks1 ^ np.uint32(0x1BD11BDA))
    x0 = (x0 + ks0).astype(np.uint32)
    x1 = (x1 + ks1).astype(np.uint32)
    rot = [(13, 15, 26, 6), (17, 29, 16, 24)]
    ks = [ks0, ks1, ks2]
    for i in range(5):
        for r in rot[i % 2]:
            x0 = (x0 + x1).astype(np.uint32)
            x1 = _rotl(x1, r)
            x1 = (x1 ^ x0).astype(np.uint32)
        x0 = (x0 + ks[(i + 1) % 3]).astype(np.uint32)
        x1 = (x1 + ks[(i + 2) % 3] + np.uint32(i + 1)).astype(np.uint32)
    return x0, x1


def _tf_split(k0, k1, n):
    b1, b2 = _tf2x32(k0, k1, np.zeros(n, np.uint32),
                     np.arange(n, dtype=np.uint32))
    return np.stack([b1, b2], axis=1)


def _tf_bits32(k0, k1, n):
    b1, b2 = _tf2x32(k0, k1, np.zeros(n, np.uint32),
                     np.arange(n, dtype=np.uint32))
    return (b1 ^ b2).astype(np.uint32)


def _np_starts(B, nclips, T, seed=42):
    k0, k1 = np.uint32(seed >> 32), np.uint32(seed & 0xFFFFFFFF)
    sk = _tf_split(k0, k1, B)
    out = np.zeros((B, nclips), np.int64)
    span = np.uint32(T)
    mult = (np.uint64(65536) % span) ** np.uint64(2) % span
    for b in range(B):
        kk = _tf_split(sk[b, 0], sk[b, 1], 2)
        hi = _tf_bits32(kk[0, 0], kk[0, 1], nclips).astype(np.uint64)
        lo = _tf_bits32(kk[1, 0], kk[1, 1], nclips).astype(np.uint64)
        out[b] = (hi % span * mult + lo % span) % span
    return out


_starts_cache = {}


def _starts(B, T):
    key = (B, T)
    if key not in _starts_cache:
        _starts_cache[key] = _np_starts(B, NUM_CLIPS, T)
    return _starts_cache[key]


def _sc_plan(starts_sc, T, b0):
    rows_per_video = T * D // LANES
    e0 = starts_sc * D
    r0 = e0 // LANES
    off = (e0 % LANES).astype(np.int32)
    i = np.arange(ROWS_PER_CLIP)
    rows_local = (r0[..., None] + i) % rows_per_video
    nb = starts_sc.shape[0]
    rows = rows_local + ((b0 + np.arange(nb)) * rows_per_video)[:, None, None]
    nk = nb * NUM_CLIPS
    plan = np.zeros((nk, LANES), np.int32)
    plan[:, :ROWS_PER_CLIP] = rows.reshape(nk, ROWS_PER_CLIP)
    plan[:, 64:80] = np.broadcast_to(off.reshape(nk, 1), (nk, 16))
    return jnp.asarray(plan)



def _tc_body(starts_ref, kp_ref, out_ref, scratch):
    T = kp_ref.shape[1]
    scratch[0:T, :] = kp_ref[0]
    scratch[T:T + CLIP_LEN, :] = kp_ref[0, 0:CLIP_LEN, :]
    b = pl.program_id(0)
    lane = lax.broadcasted_iota(jnp.int32, (CLIP_LEN, D), 1)
    ch = lane % 3
    scale = jnp.where(ch == 0, 2.0 / W,
                      jnp.where(ch == 1, 2.0 / H, 1.0)).astype(jnp.float32)
    offset = jnp.where(ch == 2, 0.0, -1.0).astype(jnp.float32)
    for c in range(NUM_CLIPS):
        start = starts_ref[b * NUM_CLIPS + c]
        v = scratch[pl.ds(start, CLIP_LEN), :]
        conf = jnp.where(ch == 0, jnp.roll(v, -2, axis=1),
                         jnp.where(ch == 1, jnp.roll(v, -1, axis=1), v))
        nv = v * scale + offset
        out_ref[0, c] = jnp.where(ch == 2, v,
                                  jnp.where(conf <= THRESHOLD, 0.0, nv))


def _tc_gather(kp, starts):
    B, T, _ = kp.shape
    return pl.pallas_call(
        _tc_body,
        grid_spec=pltpu.PrefetchScalarGridSpec(
            num_scalar_prefetch=1,
            grid=(B,),
            in_specs=[pl.BlockSpec((1, T, D), lambda b, s: (b, 0, 0))],
            out_specs=pl.BlockSpec((1, NUM_CLIPS, CLIP_LEN, D),
                                   lambda b, s: (b, 0, 0, 0)),
            scratch_shapes=[pltpu.VMEM((T + CLIP_LEN, D), jnp.float32)],
        ),
        out_shape=jax.ShapeDtypeStruct((B, NUM_CLIPS, CLIP_LEN, D),
                                       jnp.float32),
    )(starts, kp)



def _norm_body(kp_ref, out_ref):
    nr = kp_ref.shape[1]
    v = kp_ref[0]
    l = lax.broadcasted_iota(jnp.int32, (nr, LANES), 1)
    r = lax.broadcasted_iota(jnp.int32, (nr, LANES), 0)
    ch = (2 * r + l) % 3
    down1 = jnp.roll(v, -1, axis=0)
    a1 = jnp.roll(v, -1, axis=1)
    a2 = jnp.roll(v, -2, axis=1)
    b1 = jnp.roll(down1, -1, axis=1)
    b2 = jnp.roll(down1, -2, axis=1)
    sh1 = jnp.where(l == LANES - 1, b1, a1)
    sh2 = jnp.where(l >= LANES - 2, b2, a2)
    conf = jnp.where(ch == 0, sh2, jnp.where(ch == 1, sh1, v))
    scale = jnp.where(ch == 0, 2.0 / W,
                      jnp.where(ch == 1, 2.0 / H, 1.0)).astype(jnp.float32)
    offs = jnp.where(ch == 2, 0.0, -1.0).astype(jnp.float32)
    out_ref[0] = jnp.where(ch == 2, v,
                           jnp.where(conf <= THRESHOLD, 0.0,
                                     v * scale + offs))


def _normalize(kp):
    B, NR, _ = kp.shape
    return pl.pallas_call(
        _norm_body,
        grid=(B,),
        in_specs=[pl.BlockSpec((1, NR, LANES), lambda b: (b, 0, 0))],
        out_specs=pl.BlockSpec((1, NR, LANES), lambda b: (b, 0, 0)),
        out_shape=jax.ShapeDtypeStruct((B, NR, LANES), jnp.float32),
    )(kp)



def _sc_gather(table, plan, nk):
    cpw = nk // NW
    rows_out = CLIP_PAD // LANES

    def body(table_hbm, plan_hbm, out_hbm, plan_v,
             buf_a, buf_b, sh_a, sh_b, gs_a, gs_b, ss_a, ss_b):
        nc = 2
        wid = lax.axis_index("s") * nc + lax.axis_index("c")
        base = wid * cpw
        pltpu.sync_copy(plan_hbm.at[pl.ds(base, cpw)], plan_v)
        iota = lax.iota(jnp.int32, 16)

        def gather_start(k, buf, gsem):
            idx = plan_v.at[k, pl.ds(0, ROWS_PER_CLIP)]
            return pltpu.async_copy(table_hbm.at[idx], buf, gsem)

        def half(p, k, hnd, buf, sh, ssem):
            hnd.wait()
            offv = plan_v[k, pl.ds(64, 16)]

            @pl.when(p > 0)
            def _():
                pltpu.make_async_copy(
                    sh, out_hbm.at[pl.ds(base * rows_out, rows_out)],
                    ssem).wait()

            def jbody(j, _):
                e = offv + j * 16 + iota
                rr = lax.shift_right_logical(e, 7)
                cc = lax.bitwise_and(e, 127)
                val = plsc.load_gather(buf, [rr, cc])
                sh[j >> 3, pl.ds(pl.multiple_of((j & 7) * 16, 16), 16)] = val
                return 0

            lax.fori_loop(0, CLIP_PAD // 16, jbody, 0, unroll=8)
            pltpu.async_copy(
                sh, out_hbm.at[pl.ds((base + k) * rows_out, rows_out)], ssem)

        def pair(p, _):
            k0 = 2 * p
            k1 = k0 + 1
            h_a = gather_start(k0, buf_a, gs_a)
            h_b = gather_start(k1, buf_b, gs_b)
            half(p, k0, h_a, buf_a, sh_a, ss_a)
            half(p, k1, h_b, buf_b, sh_b, ss_b)
            return 0

        lax.fori_loop(0, cpw // 2, pair, 0)
        for sh, ssem in ((sh_a, ss_a), (sh_b, ss_b)):
            pltpu.make_async_copy(
                sh, out_hbm.at[pl.ds(base * rows_out, rows_out)], ssem).wait()

    mesh = plsc.VectorSubcoreMesh(core_axis_name="c", subcore_axis_name="s")
    f = functools.partial(
        pl.kernel,
        out_type=jax.ShapeDtypeStruct((nk * rows_out, LANES), jnp.float32),
        mesh=mesh,
        compiler_params=pltpu.CompilerParams(needs_layout_passes=False),
        scratch_types=[
            pltpu.VMEM((cpw, LANES), jnp.int32),
            pltpu.VMEM((ROWS_PER_CLIP, LANES), jnp.float32),
            pltpu.VMEM((ROWS_PER_CLIP, LANES), jnp.float32),
            pltpu.VMEM((rows_out, LANES), jnp.float32),
            pltpu.VMEM((rows_out, LANES), jnp.float32),
            pltpu.SemaphoreType.DMA,
            pltpu.SemaphoreType.DMA,
            pltpu.SemaphoreType.DMA,
            pltpu.SemaphoreType.DMA,
        ],
    )(body)
    return f(table, plan)



def kernel(keypoints):
    B, T = keypoints.shape[0], keypoints.shape[1]
    starts = _starts(B, T)
    outs = []
    if B_SC:
        kp_sc = keypoints[:B_SC].reshape(B_SC, T * D // LANES, LANES)
        norm = _normalize(kp_sc)
        table = norm.reshape(B_SC * (T * D // LANES), LANES)
        plan = _sc_plan(starts[:B_SC], T, 0)
        nk = B_SC * NUM_CLIPS
        rows = _sc_gather(table, plan, nk)
        clips = rows.reshape(nk, CLIP_PAD)[:, :CLIP_W]
        outs.append(clips.reshape(B_SC, NUM_CLIPS, CLIP_LEN, D))
    if B_SC < B:
        kp_tc = keypoints[B_SC:].reshape(B - B_SC, T, D)
        st = jnp.asarray(starts[B_SC:].reshape(-1).astype(np.int32))
        outs.append(_tc_gather(kp_tc, st))
    out_c = outs[0] if len(outs) == 1 else jnp.concatenate(outs, axis=0)
    out = out_c.reshape(B, NUM_CLIPS, 1, CLIP_LEN, V, C)
    zeros = jnp.zeros_like(out)
    return jnp.concatenate([out, zeros], axis=2)

# --- scband reference (transcript-rebuilt; emitter-appended) ---
"""Pipeline reference for scband-custom-transform-62637803044890 (READ-ONLY COPY).

The authoritative reference and input builder live on the scoring server;
editing this copy changes nothing except your own understanding.
"""

import jax, jax.numpy as jnp
import numpy as np

NUM_CLIPS = 10
CLIP_LEN = 100
THRESHOLD = 0.01
W = 960.0
H = 576.0
NUM_PERSON = 2
V = 17
C = 3


def _transform_one(kp, key):
    # kp: [T, 17, 3]
    kp = kp[None, ...]  # [1, T, 17, 3]
    maskout = kp[..., 2] <= THRESHOLD
    x = (kp[..., 0] - W / 2.0) / (W / 2.0)
    y = (kp[..., 1] - H / 2.0) / (H / 2.0)
    x = jnp.where(maskout, 0.0, x)
    y = jnp.where(maskout, 0.0, y)
    kp = jnp.stack([x, y, kp[..., 2]], axis=-1)  # [1, T, 17, 3]
    num_frames = kp.shape[1]
    starts = jax.random.randint(key, (NUM_CLIPS,), 0, num_frames)
    inds = (starts[:, None] + jnp.arange(CLIP_LEN)[None, :]).reshape(-1)
    inds = inds % num_frames  # [NUM_CLIPS*CLIP_LEN]
    kp = jnp.take(kp, inds, axis=1)  # [1, 1000, 17, 3]
    pad = jnp.zeros((NUM_PERSON - 1,) + kp.shape[1:], dtype=kp.dtype)
    kp = jnp.concatenate([kp, pad], axis=0)  # [2, 1000, 17, 3]
    kp = kp.reshape(NUM_PERSON, NUM_CLIPS, CLIP_LEN, V, C)
    return jnp.transpose(kp, (1, 0, 2, 3, 4))  # [10, 2, 100, 17, 3]


def setup_inputs(seed: int = 0) -> dict:
    key = jax.random.key(seed)
    keypoints = jax.random.uniform(key, (512, 2048, V, C), dtype=jnp.float32)
    return {"keypoints": keypoints}


def reference(keypoints):
    B = keypoints.shape[0]
    keys = jax.random.split(jax.random.key(42), B)
    return jax.vmap(_transform_one)(keypoints, keys)

if __name__ == "__main__":
    import jax
    _d = setup_inputs()
    print(jax.jit(kernel)(*tuple(_d.values())))

</pallas_src>

<mosaic_0001>
#map = affine_map<(d0, d1) -> (0, 0)>
module attributes {stable_mosaic.version = 14 : i64} {
  func.func @body(%arg0: i32, %arg1: i32, %arg2: memref<104448x128xf32, #tpu.memory_space<hbm>>, %arg3: memref<1280x128xi32, #tpu.memory_space<hbm>>, %arg4: memref<51200x128xf32, #tpu.memory_space<hbm>>, %arg5: memref<40x128xi32, #tpu.memory_space<vmem>>, %arg6: memref<41x128xf32, #tpu.memory_space<vmem>>, %arg7: memref<41x128xf32, #tpu.memory_space<vmem>>, %arg8: memref<40x128xf32, #tpu.memory_space<vmem>>, %arg9: memref<40x128xf32, #tpu.memory_space<vmem>>, %arg10: memref<!tpu.dma_semaphore, #tpu.memory_space<semaphore_mem>>, %arg11: memref<!tpu.dma_semaphore, #tpu.memory_space<semaphore_mem>>, %arg12: memref<!tpu.dma_semaphore, #tpu.memory_space<semaphore_mem>>, %arg13: memref<!tpu.dma_semaphore, #tpu.memory_space<semaphore_mem>>) attributes {dimension_semantics = [#tpu.dimension_semantics<core_parallel>, #tpu.dimension_semantics<subcore_parallel>], iteration_bounds = array<i64: 2, 16>, scalar_prefetch = 0 : i64, scratch_operands = 9 : i64, tpu.core_type = #tpu.core_type<sc_vector_subcore>, window_params = [{transform_indices = #map}, {transform_indices = #map}, {transform_indices = #map}]} {
    %mul3A = arith.constant 2 : i32
    %mul3A_0 = arith.muli %arg1, %mul3A : i32
    %add3A = arith.addi %mul3A_0, %arg0 : i32
    %mul3A_1 = arith.constant 40 : i32
    %mul3A_2 = arith.muli %add3A, %mul3A_1 : i32
    "tpu.region"() ({
      %run_scoped3A = tpu.sem_alloc : memref<!tpu.dma_semaphore, #tpu.memory_space<semaphore_mem>>
      %dma_start3A = arith.constant 0 : i32
      %dma_start3A_20 = tpu.memref_slice %arg3[%mul3A_2, %dma_start3A] : memref<1280x128xi32, #tpu.memory_space<hbm>> -> memref<40x128xi32, #tpu.memory_space<hbm>>
      %dma_start3A_21 = arith.constant 0 : i32
      %dma_start3A_22 = tpu.memref_slice %arg3[%mul3A_2, %dma_start3A_21] : memref<1280x128xi32, #tpu.memory_space<hbm>> -> memref<40x128xi32, #tpu.memory_space<hbm>>
      tpu.enqueue_dma source(%dma_start3A_22 : memref<40x128xi32, #tpu.memory_space<hbm>>) target(%arg5 : memref<40x128xi32, #tpu.memory_space<vmem>>) target_semaphore(%run_scoped3A : memref<!tpu.dma_semaphore, #tpu.memory_space<semaphore_mem>>)
      %dma_wait3A_23 = arith.constant 0 : i32
      %dma_wait3A_24 = tpu.memref_slice %arg3[%mul3A_2, %dma_wait3A_23] : memref<1280x128xi32, #tpu.memory_space<hbm>> -> memref<40x128xi32, #tpu.memory_space<hbm>>
      %dma_wait3A_25 = arith.constant 0 : i32
      %dma_wait3A_26 = tpu.memref_slice %arg3[%mul3A_2, %dma_wait3A_25] : memref<1280x128xi32, #tpu.memory_space<hbm>> -> memref<40x128xi32, #tpu.memory_space<hbm>>
      tpu.wait_dma2 semaphore(%run_scoped3A : memref<!tpu.dma_semaphore, #tpu.memory_space<semaphore_mem>>) src(%dma_wait3A_26 : memref<40x128xi32, #tpu.memory_space<hbm>>) dst(%arg5 : memref<40x128xi32, #tpu.memory_space<vmem>>)
      tpu.yield
    }) : () -> ()
    %iota3A = tpu.iota {dimensions = array<i32: 0>} : vector<16xi32>
    %scan3A = arith.constant 0 : i32
    %scan3A_3 = arith.constant 0 : i32
    %scan3A_4 = arith.constant 20 : i32
    %scan3A_5 = arith.addi %scan3A_3, %scan3A_4 : i32
    %scan3A_6 = arith.constant 1 : i32
    %scan3A_7 = scf.for %scan3A_20 = %scan3A_3 to %scan3A_5 step %scan3A_6 iter_args(%scan3A_21 = %scan3A) -> (i32)  : i32 {
      %mul3A_22 = arith.constant 2 : i32
      %mul3A_23 = arith.muli %mul3A_22, %scan3A_20 : i32
      %add3A_24 = arith.constant 1 : i32
      %add3A_25 = arith.addi %mul3A_23, %add3A_24 : i32
      %dma_start3A = arith.constant 0 : i32
      %dma_start3A_26 = tpu.memref_slice %arg5[%mul3A_23, %dma_start3A] : memref<40x128xi32, #tpu.memory_space<vmem>> -> memref<1x41xi32, #tpu.memory_space<vmem>>
      %dma_start3A_27 = tpu.memref_squeeze %dma_start3A_26 : memref<1x41xi32, #tpu.memory_space<vmem>> -> memref<41xi32, #tpu.memory_space<vmem>>
      %dma_start3A_28 = arith.constant 0 : i32
      %dma_start3A_29 = arith.constant 0 : i32
      %dma_start3A_30 = tpu.memref_slice %arg2[%dma_start3A_28, %dma_start3A_29] : memref<104448x128xf32, #tpu.memory_space<hbm>> -> memref<104448x128xf32, #tpu.memory_space<hbm>>
      tpu.enqueue_indirect_dma source(%dma_start3A_30 : memref<104448x128xf32, #tpu.memory_space<hbm>>) target(%arg6 : memref<41x128xf32, #tpu.memory_space<vmem>>) offsets(%dma_start3A_27 : memref<41xi32, #tpu.memory_space<vmem>>) semaphore(%arg10 : memref<!tpu.dma_semaphore, #tpu.memory_space<semaphore_mem>>)
      %dma_start3A_31 = arith.constant 0 : i32
      %dma_start3A_32 = tpu.memref_slice %arg5[%add3A_25, %dma_start3A_31] : memref<40x128xi32, #tpu.memory_space<vmem>> -> memref<1x41xi32, #tpu.memory_space<vmem>>
      %dma_start3A_33 = tpu.memref_squeeze %dma_start3A_32 : memref<1x41xi32, #tpu.memory_space<vmem>> -> memref<41xi32, #tpu.memory_space<vmem>>
      %dma_start3A_34 = arith.constant 0 : i32
      %dma_start3A_35 = arith.constant 0 : i32
      %dma_start3A_36 = tpu.memref_slice %arg2[%dma_start3A_34, %dma_start3A_35] : memref<104448x128xf32, #tpu.memory_space<hbm>> -> memref<104448x128xf32, #tpu.memory_space<hbm>>
      tpu.enqueue_indirect_dma source(%dma_start3A_36 : memref<104448x128xf32, #tpu.memory_space<hbm>>) target(%arg7 : memref<41x128xf32, #tpu.memory_space<vmem>>) offsets(%dma_start3A_33 : memref<41xi32, #tpu.memory_space<vmem>>) semaphore(%arg11 : memref<!tpu.dma_semaphore, #tpu.memory_space<semaphore_mem>>)
      %dma_wait3A_37 = arith.constant 0 : i32
      %dma_wait3A_38 = tpu.memref_slice %arg5[%mul3A_23, %dma_wait3A_37] : memref<40x128xi32, #tpu.memory_space<vmem>> -> memref<1x41xi32, #tpu.memory_space<vmem>>
      %dma_wait3A_39 = tpu.memref_squeeze %dma_wait3A_38 : memref<1x41xi32, #tpu.memory_space<vmem>> -> memref<41xi32, #tpu.memory_space<vmem>>
      %dma_wait3A_40 = arith.constant 0 : i32
      %dma_wait3A_41 = arith.constant 0 : i32
      %dma_wait3A_42 = tpu.memref_slice %arg2[%dma_wait3A_40, %dma_wait3A_41] : memref<104448x128xf32, #tpu.memory_space<hbm>> -> memref<104448x128xf32, #tpu.memory_space<hbm>>
      tpu.wait_indirect_dma semaphore(%arg10 : memref<!tpu.dma_semaphore, #tpu.memory_space<semaphore_mem>>) src(%dma_wait3A_42 : memref<104448x128xf32, #tpu.memory_space<hbm>>) dst(%arg6 : memref<41x128xf32, #tpu.memory_space<vmem>>)
      %get3A = arith.index_cast %mul3A_23 : i32 to index
      %get3A_43 = arith.constant 64 : index
      %get3A_44 = tpu.vector_load %arg5[%get3A, %get3A_43] {strides = array<i32>} : memref<40x128xi32, #tpu.memory_space<vmem>>, vector<16xi32>,
      %gt3A = arith.constant 0 : i32
      %gt3A_45 = arith.cmpi sgt, %scan3A_20, %gt3A : i32
      %convert_element_type3A = arith.extui %gt3A_45 : i1 to i32
      %cond3A = arith.constant 0 : i32
      %cond3A_46 = arith.cmpi ne, %convert_element_type3A, %cond3A : i32
      scf.if %cond3A_46 {
        %mul3A_90 = arith.constant 40 : i32
        %mul3A_91 = arith.muli %mul3A_2, %mul3A_90 : i32
        %dma_wait3A_92 = arith.constant 0 : i32
        %dma_wait3A_93 = tpu.memref_slice %arg4[%mul3A_91, %dma_wait3A_92] : memref<51200x128xf32, #tpu.memory_space<hbm>> -> memref<40x128xf32, #tpu.memory_space<hbm>>
        %dma_wait3A_94 = arith.constant 0 : i32
        %dma_wait3A_95 = tpu.memref_slice %arg4[%mul3A_91, %dma_wait3A_94] : memref<51200x128xf32, #tpu.memory_space<hbm>> -> memref<40x128xf32, #tpu.memory_space<hbm>>
        tpu.wait_dma2 semaphore(%arg12 : memref<!tpu.dma_semaphore, #tpu.memory_space<semaphore_mem>>) src(%arg8 : memref<40x128xf32, #tpu.memory_space<vmem>>) dst(%dma_wait3A_95 : memref<40x128xf32, #tpu.memory_space<hbm>>)
      } else {
      }
      %scan3A_47 = arith.constant 0 : i32
      %scan3A_48 = arith.constant 0 : i32
      %scan3A_49 = arith.constant 320 : i32
      %scan3A_50 = arith.addi %scan3A_48, %scan3A_49 : i32
      %scan3A_51 = arith.constant 8 : i32
      %scan3A_52 = scf.for %scan3A_90 = %scan3A_48 to %scan3A_50 step %scan3A_51 iter_args(%scan3A_91 = %scan3A_47) -> (i32)  : i32 {
        %mul3A_92 = arith.constant 16 : i32
        %mul3A_93 = arith.muli %scan3A_90, %mul3A_92 : i32
        %add3A_94 = vector.broadcast %mul3A_93 : i32 to vector<16xi32>
        %add3A_95 = arith.addi %get3A_44, %add3A_94 : vector<16xi32>
        %add3A_96 = arith.addi %add3A_95, %iota3A : vector<16xi32>
        %shift_right_logical3A = arith.constant 7 : i32
        %shift_right_logical3A_97 = vector.broadcast %shift_right_logical3A : i32 to vector<16xi32>
        %shift_right_logical3A_98 = arith.shrui %add3A_96, %shift_right_logical3A_97 : vector<16xi32>
        %and3A = arith.constant 127 : i32
        %and3A_99 = vector.broadcast %and3A : i32 to vector<16xi32>
        %and3A_100 = arith.andi %add3A_96, %and3A_99 : vector<16xi32>
        %gather3A = tpu.vector_load_idx %arg6[%shift_right_logical3A_98, %and3A_100] : memref<41x128xf32, #tpu.memory_space<vmem>>[vector<16xi32>, vector<16xi32>], vector<16xf32>,
        %shift_right_arithmetic3A = arith.constant 3 : i32
        %shift_right_arithmetic3A_101 = arith.shrsi %scan3A_90, %shift_right_arithmetic3A : i32
        %and3A_102 = arith.constant 7 : i32
        %and3A_103 = arith.andi %scan3A_90, %and3A_102 : i32
        %mul3A_104 = arith.constant 16 : i32
        %mul3A_105 = arith.muli %and3A_103, %mul3A_104 : i32
        %multiple_of3A = tpu.assume_multiple %mul3A_105, 16 : i32
        %swap3A = arith.index_cast %shift_right_arithmetic3A_101 : i32 to index
        %swap3A_106 = arith.index_cast %multiple_of3A : i32 to index
        %swap3A_107 = tpu.vector_load %arg8[%swap3A, %swap3A_106] {strides = array<i32>} : memref<40x128xf32, #tpu.memory_space<vmem>>, vector<16xf32>,
        tpu.vector_store %arg8[%swap3A, %swap3A_106], %gather3A {strides = array<i32>} : memref<40x128xf32, #tpu.memory_space<vmem>>, vector<16xf32>,
        %scan3A_108 = arith.constant 0 : i32
        %scan3A_109 = arith.constant 1 : i32
        %scan3A_110 = arith.addi %scan3A_90, %scan3A_109 : i32
        %mul3A_111 = arith.constant 16 : i32
        %mul3A_112 = arith.muli %scan3A_110, %mul3A_111 : i32
        %add3A_113 = vector.broadcast %mul3A_112 : i32 to vector<16xi32>
        %add3A_114 = arith.addi %get3A_44, %add3A_113 : vector<16xi32>
        %add3A_115 = arith.addi %add3A_114, %iota3A : vector<16xi32>
        %shift_right_logical3A_116 = arith.constant 7 : i32
        %shift_right_logical3A_117 = vector.broadcast %shift_right_logical3A_116 : i32 to vector<16xi32>
        %shift_right_logical3A_118 = arith.shrui %add3A_115, %shift_right_logical3A_117 : vector<16xi32>
        %and3A_119 = arith.constant 127 : i32
        %and3A_120 = vector.broadcast %and3A_119 : i32 to vector<16xi32>
        %and3A_121 = arith.andi %add3A_115, %and3A_120 : vector<16xi32>
        %gather3A_122 = tpu.vector_load_idx %arg6[%shift_right_logical3A_118, %and3A_121] : memref<41x128xf32, #tpu.memory_space<vmem>>[vector<16xi32>, vector<16xi32>], vector<16xf32>,
        %shift_right_arithmetic3A_123 = arith.constant 3 : i32
        %shift_right_arithmetic3A_124 = arith.shrsi %scan3A_110, %shift_right_arithmetic3A_123 : i32
        %and3A_125 = arith.constant 7 : i32
        %and3A_126 = arith.andi %scan3A_110, %and3A_125 : i32
        %mul3A_127 = arith.constant 16 : i32
        %mul3A_128 = arith.muli %and3A_126, %mul3A_127 : i32
        %multiple_of3A_129 = tpu.assume_multiple %mul3A_128, 16 : i32
        %swap3A_130 = arith.index_cast %shift_right_arithmetic3A_124 : i32 to index
        %swap3A_131 = arith.index_cast %multiple_of3A_129 : i32 to index
        %swap3A_132 = tpu.vector_load %arg8[%swap3A_130, %swap3A_131] {strides = array<i32>} : memref<40x128xf32, #tpu.memory_space<vmem>>, vector<16xf32>,
        tpu.vector_store %arg8[%swap3A_130, %swap3A_131], %gather3A_122 {strides = array<i32>} : memref<40x128xf32, #tpu.memory_space<vmem>>, vector<16xf32>,
        %scan3A_133 = arith.constant 0 : i32
        %scan3A_134 = arith.constant 2 : i32
        %scan3A_135 = arith.addi %scan3A_90, %scan3A_134 : i32
        %mul3A_136 = arith.constant 16 : i32
        %mul3A_137 = arith.muli %scan3A_135, %mul3A_136 : i32
        %add3A_138 = vector.broadcast %mul3A_137 : i32 to vector<16xi32>
        %add3A_139 = arith.addi %get3A_44, %add3A_138 : vector<16xi32>
        %add3A_140 = arith.addi %add3A_139, %iota3A : vector<16xi32>
        %shift_right_logical3A_141 = arith.constant 7 : i32
        %shift_right_logical3A_142 = vector.broadcast %shift_right_logical3A_141 : i32 to vector<16xi32>
        %shift_right_logical3A_143 = arith.shrui %add3A_140, %shift_right_logical3A_142 : vector<16xi32>
        %and3A_144 = arith.constant 127 : i32
        %and3A_145 = vector.broadcast %and3A_144 : i32 to vector<16xi32>
        %and3A_146 = arith.andi %add3A_140, %and3A_145 : vector<16xi32>
        %gather3A_147 = tpu.vector_load_idx %arg6[%shift_right_logical3A_143, %and3A_146] : memref<41x128xf32, #tpu.memory_space<vmem>>[vector<16xi32>, vector<16xi32>], vector<16xf32>,
        %shift_right_arithmetic3A_148 = arith.constant 3 : i32
        %shift_right_arithmetic3A_149 = arith.shrsi %scan3A_135, %shift_right_arithmetic3A_148 : i32
        %and3A_150 = arith.constant 7 : i32
        %and3A_151 = arith.andi %scan3A_135, %and3A_150 : i32
        %mul3A_152 = arith.constant 16 : i32
        %mul3A_153 = arith.muli %and3A_151, %mul3A_152 : i32
        %multiple_of3A_154 = tpu.assume_multiple %mul3A_153, 16 : i32
        %swap3A_155 = arith.index_cast %shift_right_arithmetic3A_149 : i32 to index
        %swap3A_156 = arith.index_cast %multiple_of3A_154 : i32 to index
        %swap3A_157 = tpu.vector_load %arg8[%swap3A_155, %swap3A_156] {strides = array<i32>} : memref<40x128xf32, #tpu.memory_space<vmem>>, vector<16xf32>,
        tpu.vector_store %arg8[%swap3A_155, %swap3A_156], %gather3A_147 {strides = array<i32>} : memref<40x128xf32, #tpu.memory_space<vmem>>, vector<16xf32>,
        %scan3A_158 = arith.constant 0 : i32
        %scan3A_159 = arith.constant 3 : i32
        %scan3A_160 = arith.addi %scan3A_90, %scan3A_159 : i32
        %mul3A_161 = arith.constant 16 : i32
        %mul3A_162 = arith.muli %scan3A_160, %mul3A_161 : i32
        %add3A_163 = vector.broadcast %mul3A_162 : i32 to vector<16xi32>
        %add3A_164 = arith.addi %get3A_44, %add3A_163 : vector<16xi32>
        %add3A_165 = arith.addi %add3A_164, %iota3A : vector<16xi32>
        %shift_right_logical3A_166 = arith.constant 7 : i32
        %shift_right_logical3A_167 = vector.broadcast %shift_right_logical3A_166 : i32 to vector<16xi32>
        %shift_right_logical3A_168 = arith.shrui %add3A_165, %shift_right_logical3A_167 : vector<16xi32>
        %and3A_169 = arith.constant 127 : i32
        %and3A_170 = vector.broadcast %and3A_169 : i32 to vector<16xi32>
        %and3A_171 = arith.andi %add3A_165, %and3A_170 : vector<16xi32>
        %gather3A_172 = tpu.vector_load_idx %arg6[%shift_right_logical3A_168, %and3A_171] : memref<41x128xf32, #tpu.memory_space<vmem>>[vector<16xi32>, vector<16xi32>], vector<16xf32>,
        %shift_right_arithmetic3A_173 = arith.constant 3 : i32
        %shift_right_arithmetic3A_174 = arith.shrsi %scan3A_160, %shift_right_arithmetic3A_173 : i32
        %and3A_175 = arith.constant 7 : i32
        %and3A_176 = arith.andi %scan3A_160, %and3A_175 : i32
        %mul3A_177 = arith.constant 16 : i32
        %mul3A_178 = arith.muli %and3A_176, %mul3A_177 : i32
        %multiple_of3A_179 = tpu.assume_multiple %mul3A_178, 16 : i32
        %swap3A_180 = arith.index_cast %shift_right_arithmetic3A_174 : i32 to index
        %swap3A_181 = arith.index_cast %multiple_of3A_179 : i32 to index
        %swap3A_182 = tpu.vector_load %arg8[%swap3A_180, %swap3A_181] {strides = array<i32>} : memref<40x128xf32, #tpu.memory_space<vmem>>, vector<16xf32>,
        tpu.vector_store %arg8[%swap3A_180, %swap3A_181], %gather3A_172 {strides = array<i32>} : memref<40x128xf32, #tpu.memory_space<vmem>>, vector<16xf32>,
        %scan3A_183 = arith.constant 0 : i32
        %scan3A_184 = arith.constant 4 : i32
        %scan3A_185 = arith.addi %scan3A_90, %scan3A_184 : i32
        %mul3A_186 = arith.constant 16 : i32
        %mul3A_187 = arith.muli %scan3A_185, %mul3A_186 : i32
        %add3A_188 = vector.broadcast %mul3A_187 : i32 to vector<16xi32>
        %add3A_189 = arith.addi %get3A_44, %add3A_188 : vector<16xi32>
        %add3A_190 = arith.addi %add3A_189, %iota3A : vector<16xi32>
        %shift_right_logical3A_191 = arith.constant 7 : i32
        %shift_right_logical3A_192 = vector.broadcast %shift_right_logical3A_191 : i32 to vector<16xi32>
        %shift_right_logical3A_193 = arith.shrui %add3A_190, %shift_right_logical3A_192 : vector<16xi32>
        %and3A_194 = arith.constant 127 : i32
        %and3A_195 = vector.broadcast %and3A_194 : i32 to vector<16xi32>
        %and3A_196 = arith.andi %add3A_190, %and3A_195 : vector<16xi32>
        %gather3A_197 = tpu.vector_load_idx %arg6[%shift_right_logical3A_193, %and3A_196] : memref<41x128xf32, #tpu.memory_space<vmem>>[vector<16xi32>, vector<16xi32>], vector<16xf32>,
        %shift_right_arithmetic3A_198 = arith.constant 3 : i32
        %shift_right_arithmetic3A_199 = arith.shrsi %scan3A_185, %shift_right_arithmetic3A_198 : i32
        %and3A_200 = arith.constant 7 : i32
        %and3A_201 = arith.andi %scan3A_185, %and3A_200 : i32
        %mul3A_202 = arith.constant 16 : i32
        %mul3A_203 = arith.muli %and3A_201, %mul3A_202 : i32
        %multiple_of3A_204 = tpu.assume_multiple %mul3A_203, 16 : i32
        %swap3A_205 = arith.index_cast %shift_right_arithmetic3A_199 : i32 to index
        %swap3A_206 = arith.index_cast %multiple_of3A_204 : i32 to index
        %swap3A_207 = tpu.vector_load %arg8[%swap3A_205, %swap3A_206] {strides = array<i32>} : memref<40x128xf32, #tpu.memory_space<vmem>>, vector<16xf32>,
        tpu.vector_store %arg8[%swap3A_205, %swap3A_206], %gather3A_197 {strides = array<i32>} : memref<40x128xf32, #tpu.memory_space<vmem>>, vector<16xf32>,
        %scan3A_208 = arith.constant 0 : i32
        %scan3A_209 = arith.constant 5 : i32
        %scan3A_210 = arith.addi %scan3A_90, %scan3A_209 : i32
        %mul3A_211 = arith.constant 16 : i32
        %mul3A_212 = arith.muli %scan3A_210, %mul3A_211 : i32
        %add3A_213 = vector.broadcast %mul3A_212 : i32 to vector<16xi32>
        %add3A_214 = arith.addi %get3A_44, %add3A_213 : vector<16xi32>
        %add3A_215 = arith.addi %add3A_214, %iota3A : vector<16xi32>
        %shift_right_logical3A_216 = arith.constant 7 : i32
        %shift_right_logical3A_217 = vector.broadcast %shift_right_logical3A_216 : i32 to vector<16xi32>
        %shift_right_logical3A_218 = arith.shrui %add3A_215, %shift_right_logical3A_217 : vector<16xi32>
        %and3A_219 = arith.constant 127 : i32
        %and3A_220 = vector.broadcast %and3A_219 : i32 to vector<16xi32>
        %and3A_221 = arith.andi %add3A_215, %and3A_220 : vector<16xi32>
        %gather3A_222 = tpu.vector_load_idx %arg6[%shift_right_logical3A_218, %and3A_221] : memref<41x128xf32, #tpu.memory_space<vmem>>[vector<16xi32>, vector<16xi32>], vector<16xf32>,
        %shift_right_arithmetic3A_223 = arith.constant 3 : i32
        %shift_right_arithmetic3A_224 = arith.shrsi %scan3A_210, %shift_right_arithmetic3A_223 : i32
        %and3A_225 = arith.constant 7 : i32
        %and3A_226 = arith.andi %scan3A_210, %and3A_225 : i32
        %mul3A_227 = arith.constant 16 : i32
        %mul3A_228 = arith.muli %and3A_226, %mul3A_227 : i32
        %multiple_of3A_229 = tpu.assume_multiple %mul3A_228, 16 : i32
        %swap3A_230 = arith.index_cast %shift_right_arithmetic3A_224 : i32 to index
        %swap3A_231 = arith.index_cast %multiple_of3A_229 : i32 to index
        %swap3A_232 = tpu.vector_load %arg8[%swap3A_230, %swap3A_231] {strides = array<i32>} : memref<40x128xf32, #tpu.memory_space<vmem>>, vector<16xf32>,
        tpu.vector_store %arg8[%swap3A_230, %swap3A_231], %gather3A_222 {strides = array<i32>} : memref<40x128xf32, #tpu.memory_space<vmem>>, vector<16xf32>,
        %scan3A_233 = arith.constant 0 : i32
        %scan3A_234 = arith.constant 6 : i32
        %scan3A_235 = arith.addi %scan3A_90, %scan3A_234 : i32
        %mul3A_236 = arith.constant 16 : i32
        %mul3A_237 = arith.muli %scan3A_235, %mul3A_236 : i32
        %add3A_238 = vector.broadcast %mul3A_237 : i32 to vector<16xi32>
        %add3A_239 = arith.addi %get3A_44, %add3A_238 : vector<16xi32>
        %add3A_240 = arith.addi %add3A_239, %iota3A : vector<16xi32>
        %shift_right_logical3A_241 = arith.constant 7 : i32
        %shift_right_logical3A_242 = vector.broadcast %shift_right_logical3A_241 : i32 to vector<16xi32>
        %shift_right_logical3A_243 = arith.shrui %add3A_240, %shift_right_logical3A_242 : vector<16xi32>
        %and3A_244 = arith.constant 127 : i32
        %and3A_245 = vector.broadcast %and3A_244 : i32 to vector<16xi32>
        %and3A_246 = arith.andi %add3A_240, %and3A_245 : vector<16xi32>
        %gather3A_247 = tpu.vector_load_idx %arg6[%shift_right_logical3A_243, %and3A_246] : memref<41x128xf32, #tpu.memory_space<vmem>>[vector<16xi32>, vector<16xi32>], vector<16xf32>,
        %shift_right_arithmetic3A_248 = arith.constant 3 : i32
        %shift_right_arithmetic3A_249 = arith.shrsi %scan3A_235, %shift_right_arithmetic3A_248 : i32
        %and3A_250 = arith.constant 7 : i32
        %and3A_251 = arith.andi %scan3A_235, %and3A_250 : i32
        %mul3A_252 = arith.constant 16 : i32
        %mul3A_253 = arith.muli %and3A_251, %mul3A_252 : i32
        %multiple_of3A_254 = tpu.assume_multiple %mul3A_253, 16 : i32
        %swap3A_255 = arith.index_cast %shift_right_arithmetic3A_249 : i32 to index
        %swap3A_256 = arith.index_cast %multiple_of3A_254 : i32 to index
        %swap3A_257 = tpu.vector_load %arg8[%swap3A_255, %swap3A_256] {strides = array<i32>} : memref<40x128xf32, #tpu.memory_space<vmem>>, vector<16xf32>,
        tpu.vector_store %arg8[%swap3A_255, %swap3A_256], %gather3A_247 {strides = array<i32>} : memref<40x128xf32, #tpu.memory_space<vmem>>, vector<16xf32>,
        %scan3A_258 = arith.constant 0 : i32
        %scan3A_259 = arith.constant 7 : i32
        %scan3A_260 = arith.addi %scan3A_90, %scan3A_259 : i32
        %mul3A_261 = arith.constant 16 : i32
        %mul3A_262 = arith.muli %scan3A_260, %mul3A_261 : i32
        %add3A_263 = vector.broadcast %mul3A_262 : i32 to vector<16xi32>
        %add3A_264 = arith.addi %get3A_44, %add3A_263 : vector<16xi32>
        %add3A_265 = arith.addi %add3A_264, %iota3A : vector<16xi32>
        %shift_right_logical3A_266 = arith.constant 7 : i32
        %shift_right_logical3A_267 = vector.broadcast %shift_right_logical3A_266 : i32 to vector<16xi32>
        %shift_right_logical3A_268 = arith.shrui %add3A_265, %shift_right_logical3A_267 : vector<16xi32>
        %and3A_269 = arith.constant 127 : i32
        %and3A_270 = vector.broadcast %and3A_269 : i32 to vector<16xi32>
        %and3A_271 = arith.andi %add3A_265, %and3A_270 : vector<16xi32>
        %gather3A_272 = tpu.vector_load_idx %arg6[%shift_right_logical3A_268, %and3A_271] : memref<41x128xf32, #tpu.memory_space<vmem>>[vector<16xi32>, vector<16xi32>], vector<16xf32>,
        %shift_right_arithmetic3A_273 = arith.constant 3 : i32
        %shift_right_arithmetic3A_274 = arith.shrsi %scan3A_260, %shift_right_arithmetic3A_273 : i32
        %and3A_275 = arith.constant 7 : i32
        %and3A_276 = arith.andi %scan3A_260, %and3A_275 : i32
        %mul3A_277 = arith.constant 16 : i32
        %mul3A_278 = arith.muli %and3A_276, %mul3A_277 : i32
        %multiple_of3A_279 = tpu.assume_multiple %mul3A_278, 16 : i32
        %swap3A_280 = arith.index_cast %shift_right_arithmetic3A_274 : i32 to index
        %swap3A_281 = arith.index_cast %multiple_of3A_279 : i32 to index
        %swap3A_282 = tpu.vector_load %arg8[%swap3A_280, %swap3A_281] {strides = array<i32>} : memref<40x128xf32, #tpu.memory_space<vmem>>, vector<16xf32>,
        tpu.vector_store %arg8[%swap3A_280, %swap3A_281], %gather3A_272 {strides = array<i32>} : memref<40x128xf32, #tpu.memory_space<vmem>>, vector<16xf32>,
        %scan3A_283 = arith.constant 0 : i32
        scf.yield %scan3A_283 : i32
      }
      %scan3A_53 = arith.constant 320 : i32
      %add3A_54 = arith.addi %mul3A_2, %mul3A_23 : i32
      %mul3A_55 = arith.constant 40 : i32
      %mul3A_56 = arith.muli %add3A_54, %mul3A_55 : i32
      %dma_start3A_57 = arith.constant 0 : i32
      %dma_start3A_58 = tpu.memref_slice %arg4[%mul3A_56, %dma_start3A_57] : memref<51200x128xf32, #tpu.memory_space<hbm>> -> memref<40x128xf32, #tpu.memory_space<hbm>>
      %dma_start3A_59 = arith.constant 0 : i32
      %dma_start3A_60 = tpu.memref_slice %arg4[%mul3A_56, %dma_start3A_59] : memref<51200x128xf32, #tpu.memory_space<hbm>> -> memref<40x128xf32, #tpu.memory_space<hbm>>
      tpu.enqueue_dma source(%arg8 : memref<40x128xf32, #tpu.memory_space<vmem>>) target(%dma_start3A_60 : memref<40x128xf32, #tpu.memory_space<hbm>>) target_semaphore(%arg12 : memref<!tpu.dma_semaphore, #tpu.memory_space<semaphore_mem>>)
      %dma_wait3A_61 = arith.constant 0 : i32
      %dma_wait3A_62 = tpu.memref_slice %arg5[%add3A_25, %dma_wait3A_61] : memref<40x128xi32, #tpu.memory_space<vmem>> -> memref<1x41xi32, #tpu.memory_space<vmem>>
      %dma_wait3A_63 = tpu.memref_squeeze %dma_wait3A_62 : memref<1x41xi32, #tpu.memory_space<vmem>> -> memref<41xi32, #tpu.memory_space<vmem>>
      %dma_wait3A_64 = arith.constant 0 : i32
      %dma_wait3A_65 = arith.constant 0 : i32
      %dma_wait3A_66 = tpu.memref_slice %arg2[%dma_wait3A_64, %dma_wait3A_65] : memref<104448x128xf32, #tpu.memory_space<hbm>> -> memref<104448x128xf32, #tpu.memory_space<hbm>>
      tpu.wait_indirect_dma semaphore(%arg11 : memref<!tpu.dma_semaphore, #tpu.memory_space<semaphore_mem>>) src(%dma_wait3A_66 : memref<104448x128xf32, #tpu.memory_space<hbm>>) dst(%arg7 : memref<41x128xf32, #tpu.memory_space<vmem>>)
      %get3A_67 = arith.index_cast %add3A_25 : i32 to index
      %get3A_68 = arith.constant 64 : index
      %get3A_69 = tpu.vector_load %arg5[%get3A_67, %get3A_68] {strides = array<i32>} : memref<40x128xi32, #tpu.memory_space<vmem>>, vector<16xi32>,
      %gt3A_70 = arith.constant 0 : i32
      %gt3A_71 = arith.cmpi sgt, %scan3A_20, %gt3A_70 : i32
      %convert_element_type3A_72 = arith.extui %gt3A_71 : i1 to i32
      %cond3A_73 = arith.constant 0 : i32
      %cond3A_74 = arith.cmpi ne, %convert_element_type3A_72, %cond3A_73 : i32
      scf.if %cond3A_74 {
        %mul3A_90 = arith.constant 40 : i32
        %mul3A_91 = arith.muli %mul3A_2, %mul3A_90 : i32
        %dma_wait3A_92 = arith.constant 0 : i32
        %dma_wait3A_93 = tpu.memref_slice %arg4[%mul3A_91, %dma_wait3A_92] : memref<51200x128xf32, #tpu.memory_space<hbm>> -> memref<40x128xf32, #tpu.memory_space<hbm>>
        %dma_wait3A_94 = arith.constant 0 : i32
        %dma_wait3A_95 = tpu.memref_slice %arg4[%mul3A_91, %dma_wait3A_94] : memref<51200x128xf32, #tpu.memory_space<hbm>> -> memref<40x128xf32, #tpu.memory_space<hbm>>
        tpu.wait_dma2 semaphore(%arg13 : memref<!tpu.dma_semaphore, #tpu.memory_space<semaphore_mem>>) src(%arg9 : memref<40x128xf32, #tpu.memory_space<vmem>>) dst(%dma_wait3A_95 : memref<40x128xf32, #tpu.memory_space<hbm>>)
      } else {
      }
      %scan3A_75 = arith.constant 0 : i32
      %scan3A_76 = arith.constant 0 : i32
      %scan3A_77 = arith.constant 320 : i32
      %scan3A_78 = arith.addi %scan3A_76, %scan3A_77 : i32
      %scan3A_79 = arith.constant 8 : i32
      %scan3A_80 = scf.for %scan3A_90 = %scan3A_76 to %scan3A_78 step %scan3A_79 iter_args(%scan3A_91 = %scan3A_75) -> (i32)  : i32 {
        %mul3A_92 = arith.constant 16 : i32
        %mul3A_93 = arith.muli %scan3A_90, %mul3A_92 : i32
        %add3A_94 = vector.broadcast %mul3A_93 : i32 to vector<16xi32>
        %add3A_95 = arith.addi %get3A_69, %add3A_94 : vector<16xi32>
        %add3A_96 = arith.addi %add3A_95, %iota3A : vector<16xi32>
        %shift_right_logical3A = arith.constant 7 : i32
        %shift_right_logical3A_97 = vector.broadcast %shift_right_logical3A : i32 to vector<16xi32>
        %shift_right_logical3A_98 = arith.shrui %add3A_96, %shift_right_logical3A_97 : vector<16xi32>
        %and3A = arith.constant 127 : i32
        %and3A_99 = vector.broadcast %and3A : i32 to vector<16xi32>
        %and3A_100 = arith.andi %add3A_96, %and3A_99 : vector<16xi32>
        %gather3A = tpu.vector_load_idx %arg7[%shift_right_logical3A_98, %and3A_100] : memref<41x128xf32, #tpu.memory_space<vmem>>[vector<16xi32>, vector<16xi32>], vector<16xf32>,
        %shift_right_arithmetic3A = arith.constant 3 : i32
        %shift_right_arithmetic3A_101 = arith.shrsi %scan3A_90, %shift_right_arithmetic3A : i32
        %and3A_102 = arith.constant 7 : i32
        %and3A_103 = arith.andi %scan3A_90, %and3A_102 : i32
        %mul3A_104 = arith.constant 16 : i32
        %mul3A_105 = arith.muli %and3A_103, %mul3A_104 : i32
        %multiple_of3A = tpu.assume_multiple %mul3A_105, 16 : i32
        %swap3A = arith.index_cast %shift_right_arithmetic3A_101 : i32 to index
        %swap3A_106 = arith.index_cast %multiple_of3A : i32 to index
        %swap3A_107 = tpu.vector_load %arg9[%swap3A, %swap3A_106] {strides = array<i32>} : memref<40x128xf32, #tpu.memory_space<vmem>>, vector<16xf32>,
        tpu.vector_store %arg9[%swap3A, %swap3A_106], %gather3A {strides = array<i32>} : memref<40x128xf32, #tpu.memory_space<vmem>>, vector<16xf32>,
        %scan3A_108 = arith.constant 0 : i32
        %scan3A_109 = arith.constant 1 : i32
        %scan3A_110 = arith.addi %scan3A_90, %scan3A_109 : i32
        %mul3A_111 = arith.constant 16 : i32
        %mul3A_112 = arith.muli %scan3A_110, %mul3A_111 : i32
        %add3A_113 = vector.broadcast %mul3A_112 : i32 to vector<16xi32>
        %add3A_114 = arith.addi %get3A_69, %add3A_113 : vector<16xi32>
        %add3A_115 = arith.addi %add3A_114, %iota3A : vector<16xi32>
        %shift_right_logical3A_116 = arith.constant 7 : i32
        %shift_right_logical3A_117 = vector.broadcast %shift_right_logical3A_116 : i32 to vector<16xi32>
        %shift_right_logical3A_118 = arith.shrui %add3A_115, %shift_right_logical3A_117 : vector<16xi32>
        %and3A_119 = arith.constant 127 : i32
        %and3A_120 = vector.broadcast %and3A_119 : i32 to vector<16xi32>
        %and3A_121 = arith.andi %add3A_115, %and3A_120 : vector<16xi32>
        %gather3A_122 = tpu.vector_load_idx %arg7[%shift_right_logical3A_118, %and3A_121] : memref<41x128xf32, #tpu.memory_space<vmem>>[vector<16xi32>, vector<16xi32>], vector<16xf32>,
        %shift_right_arithmetic3A_123 = arith.constant 3 : i32
        %shift_right_arithmetic3A_124 = arith.shrsi %scan3A_110, %shift_right_arithmetic3A_123 : i32
        %and3A_125 = arith.constant 7 : i32
        %and3A_126 = arith.andi %scan3A_110, %and3A_125 : i32
        %mul3A_127 = arith.constant 16 : i32
        %mul3A_128 = arith.muli %and3A_126, %mul3A_127 : i32
        %multiple_of3A_129 = tpu.assume_multiple %mul3A_128, 16 : i32
        %swap3A_130 = arith.index_cast %shift_right_arithmetic3A_124 : i32 to index
        %swap3A_131 = arith.index_cast %multiple_of3A_129 : i32 to index
        %swap3A_132 = tpu.vector_load %arg9[%swap3A_130, %swap3A_131] {strides = array<i32>} : memref<40x128xf32, #tpu.memory_space<vmem>>, vector<16xf32>,
        tpu.vector_store %arg9[%swap3A_130, %swap3A_131], %gather3A_122 {strides = array<i32>} : memref<40x128xf32, #tpu.memory_space<vmem>>, vector<16xf32>,
        %scan3A_133 = arith.constant 0 : i32
        %scan3A_134 = arith.constant 2 : i32
        %scan3A_135 = arith.addi %scan3A_90, %scan3A_134 : i32
        %mul3A_136 = arith.constant 16 : i32
        %mul3A_137 = arith.muli %scan3A_135, %mul3A_136 : i32
        %add3A_138 = vector.broadcast %mul3A_137 : i32 to vector<16xi32>
        %add3A_139 = arith.addi %get3A_69, %add3A_138 : vector<16xi32>
        %add3A_140 = arith.addi %add3A_139, %iota3A : vector<16xi32>
        %shift_right_logical3A_141 = arith.constant 7 : i32
        %shift_right_logical3A_142 = vector.broadcast %shift_right_logical3A_141 : i32 to vector<16xi32>
        %shift_right_logical3A_143 = arith.shrui %add3A_140, %shift_right_logical3A_142 : vector<16xi32>
        %and3A_144 = arith.constant 127 : i32
        %and3A_145 = vector.broadcast %and3A_144 : i32 to vector<16xi32>
        %and3A_146 = arith.andi %add3A_140, %and3A_145 : vector<16xi32>
        %gather3A_147 = tpu.vector_load_idx %arg7[%shift_right_logical3A_143, %and3A_146] : memref<41x128xf32, #tpu.memory_space<vmem>>[vector<16xi32>, vector<16xi32>], vector<16xf32>,
        %shift_right_arithmetic3A_148 = arith.constant 3 : i32
        %shift_right_arithmetic3A_149 = arith.shrsi %scan3A_135, %shift_right_arithmetic3A_148 : i32
        %and3A_150 = arith.constant 7 : i32
        %and3A_151 = arith.andi %scan3A_135, %and3A_150 : i32
        %mul3A_152 = arith.constant 16 : i32
        %mul3A_153 = arith.muli %and3A_151, %mul3A_152 : i32
        %multiple_of3A_154 = tpu.assume_multiple %mul3A_153, 16 : i32
        %swap3A_155 = arith.index_cast %shift_right_arithmetic3A_149 : i32 to index
        %swap3A_156 = arith.index_cast %multiple_of3A_154 : i32 to index
        %swap3A_157 = tpu.vector_load %arg9[%swap3A_155, %swap3A_156] {strides = array<i32>} : memref<40x128xf32, #tpu.memory_space<vmem>>, vector<16xf32>,
        tpu.vector_store %arg9[%swap3A_155, %swap3A_156], %gather3A_147 {strides = array<i32>} : memref<40x128xf32, #tpu.memory_space<vmem>>, vector<16xf32>,
        %scan3A_158 = arith.constant 0 : i32
        %scan3A_159 = arith.constant 3 : i32
        %scan3A_160 = arith.addi %scan3A_90, %scan3A_159 : i32
        %mul3A_161 = arith.constant 16 : i32
        %mul3A_162 = arith.muli %scan3A_160, %mul3A_161 : i32
        %add3A_163 = vector.broadcast %mul3A_162 : i32 to vector<16xi32>
        %add3A_164 = arith.addi %get3A_69, %add3A_163 : vector<16xi32>
        %add3A_165 = arith.addi %add3A_164, %iota3A : vector<16xi32>
        %shift_right_logical3A_166 = arith.constant 7 : i32
        %shift_right_logical3A_167 = vector.broadcast %shift_right_logical3A_166 : i32 to vector<16xi32>
        %shift_right_logical3A_168 = arith.shrui %add3A_165, %shift_right_logical3A_167 : vector<16xi32>
        %and3A_169 = arith.constant 127 : i32
        %and3A_170 = vector.broadcast %and3A_169 : i32 to vector<16xi32>
        %and3A_171 = arith.andi %add3A_165, %and3A_170 : vector<16xi32>
        %gather3A_172 = tpu.vector_load_idx %arg7[%shift_right_logical3A_168, %and3A_171] : memref<41x128xf32, #tpu.memory_space<vmem>>[vector<16xi32>, vector<16xi32>], vector<16xf32>,
        %shift_right_arithmetic3A_173 = arith.constant 3 : i32
        %shift_right_arithmetic3A_174 = arith.shrsi %scan3A_160, %shift_right_arithmetic3A_173 : i32
        %and3A_175 = arith.constant 7 : i32
        %and3A_176 = arith.andi %scan3A_160, %and3A_175 : i32
        %mul3A_177 = arith.constant 16 : i32
        %mul3A_178 = arith.muli %and3A_176, %mul3A_177 : i32
        %multiple_of3A_179 = tpu.assume_multiple %mul3A_178, 16 : i32
        %swap3A_180 = arith.index_cast %shift_right_arithmetic3A_174 : i32 to index
        %swap3A_181 = arith.index_cast %multiple_of3A_179 : i32 to index
        %swap3A_182 = tpu.vector_load %arg9[%swap3A_180, %swap3A_181] {strides = array<i32>} : memref<40x128xf32, #tpu.memory_space<vmem>>, vector<16xf32>,
        tpu.vector_store %arg9[%swap3A_180, %swap3A_181], %gather3A_172 {strides = array<i32>} : memref<40x128xf32, #tpu.memory_space<vmem>>, vector<16xf32>,
        %scan3A_183 = arith.constant 0 : i32
        %scan3A_184 = arith.constant 4 : i32
        %scan3A_185 = arith.addi %scan3A_90, %scan3A_184 : i32
        %mul3A_186 = arith.constant 16 : i32
        %mul3A_187 = arith.muli %scan3A_185, %mul3A_186 : i32
        %add3A_188 = vector.broadcast %mul3A_187 : i32 to vector<16xi32>
        %add3A_189 = arith.addi %get3A_69, %add3A_188 : vector<16xi32>
        %add3A_190 = arith.addi %add3A_189, %iota3A : vector<16xi32>
        %shift_right_logical3A_191 = arith.constant 7 : i32
        %shift_right_logical3A_192 = vector.broadcast %shift_right_logical3A_191 : i32 to vector<16xi32>
        %shift_right_logical3A_193 = arith.shrui %add3A_190, %shift_right_logical3A_192 : vector<16xi32>
        %and3A_194 = arith.constant 127 : i32
        %and3A_195 = vector.broadcast %and3A_194 : i32 to vector<16xi32>
        %and3A_196 = arith.andi %add3A_190, %and3A_195 : vector<16xi32>
        %gather3A_197 = tpu.vector_load_idx %arg7[%shift_right_logical3A_193, %and3A_196] : memref<41x128xf32, #tpu.memory_space<vmem>>[vector<16xi32>, vector<16xi32>], vector<16xf32>,
        %shift_right_arithmetic3A_198 = arith.constant 3 : i32
        %shift_right_arithmetic3A_199 = arith.shrsi %scan3A_185, %shift_right_arithmetic3A_198 : i32
        %and3A_200 = arith.constant 7 : i32
        %and3A_201 = arith.andi %scan3A_185, %and3A_200 : i32
        %mul3A_202 = arith.constant 16 : i32
        %mul3A_203 = arith.muli %and3A_201, %mul3A_202 : i32
        %multiple_of3A_204 = tpu.assume_multiple %mul3A_203, 16 : i32
        %swap3A_205 = arith.index_cast %shift_right_arithmetic3A_199 : i32 to index
        %swap3A_206 = arith.index_cast %multiple_of3A_204 : i32 to index
        %swap3A_207 = tpu.vector_load %arg9[%swap3A_205, %swap3A_206] {strides = array<i32>} : memref<40x128xf32, #tpu.memory_space<vmem>>, vector<16xf32>,
        tpu.vector_store %arg9[%swap3A_205, %swap3A_206], %gather3A_197 {strides = array<i32>} : memref<40x128xf32, #tpu.memory_space<vmem>>, vector<16xf32>,
        %scan3A_208 = arith.constant 0 : i32
        %scan3A_209 = arith.constant 5 : i32
        %scan3A_210 = arith.addi %scan3A_90, %scan3A_209 : i32
        %mul3A_211 = arith.constant 16 : i32
        %mul3A_212 = arith.muli %scan3A_210, %mul3A_211 : i32
        %add3A_213 = vector.broadcast %mul3A_212 : i32 to vector<16xi32>
        %add3A_214 = arith.addi %get3A_69, %add3A_213 : vector<16xi32>
        %add3A_215 = arith.addi %add3A_214, %iota3A : vector<16xi32>
        %shift_right_logical3A_216 = arith.constant 7 : i32
        %shift_right_logical3A_217 = vector.broadcast %shift_right_logical3A_216 : i32 to vector<16xi32>
        %shift_right_logical3A_218 = arith.shrui %add3A_215, %shift_right_logical3A_217 : vector<16xi32>
        %and3A_219 = arith.constant 127 : i32
        %and3A_220 = vector.broadcast %and3A_219 : i32 to vector<16xi32>
        %and3A_221 = arith.andi %add3A_215, %and3A_220 : vector<16xi32>
        %gather3A_222 = tpu.vector_load_idx %arg7[%shift_right_logical3A_218, %and3A_221] : memref<41x128xf32, #tpu.memory_space<vmem>>[vector<16xi32>, vector<16xi32>], vector<16xf32>,
        %shift_right_arithmetic3A_223 = arith.constant 3 : i32
        %shift_right_arithmetic3A_224 = arith.shrsi %scan3A_210, %shift_right_arithmetic3A_223 : i32
        %and3A_225 = arith.constant 7 : i32
        %and3A_226 = arith.andi %scan3A_210, %and3A_225 : i32
        %mul3A_227 = arith.constant 16 : i32
        %mul3A_228 = arith.muli %and3A_226, %mul3A_227 : i32
        %multiple_of3A_229 = tpu.assume_multiple %mul3A_228, 16 : i32
        %swap3A_230 = arith.index_cast %shift_right_arithmetic3A_224 : i32 to index
        %swap3A_231 = arith.index_cast %multiple_of3A_229 : i32 to index
        %swap3A_232 = tpu.vector_load %arg9[%swap3A_230, %swap3A_231] {strides = array<i32>} : memref<40x128xf32, #tpu.memory_space<vmem>>, vector<16xf32>,
        tpu.vector_store %arg9[%swap3A_230, %swap3A_231], %gather3A_222 {strides = array<i32>} : memref<40x128xf32, #tpu.memory_space<vmem>>, vector<16xf32>,
        %scan3A_233 = arith.constant 0 : i32
        %scan3A_234 = arith.constant 6 : i32
        %scan3A_235 = arith.addi %scan3A_90, %scan3A_234 : i32
        %mul3A_236 = arith.constant 16 : i32
        %mul3A_237 = arith.muli %scan3A_235, %mul3A_236 : i32
        %add3A_238 = vector.broadcast %mul3A_237 : i32 to vector<16xi32>
        %add3A_239 = arith.addi %get3A_69, %add3A_238 : vector<16xi32>
        %add3A_240 = arith.addi %add3A_239, %iota3A : vector<16xi32>
        %shift_right_logical3A_241 = arith.constant 7 : i32
        %shift_right_logical3A_242 = vector.broadcast %shift_right_logical3A_241 : i32 to vector<16xi32>
        %shift_right_logical3A_243 = arith.shrui %add3A_240, %shift_right_logical3A_242 : vector<16xi32>
        %and3A_244 = arith.constant 127 : i32
        %and3A_245 = vector.broadcast %and3A_244 : i32 to vector<16xi32>
        %and3A_246 = arith.andi %add3A_240, %and3A_245 : vector<16xi32>
        %gather3A_247 = tpu.vector_load_idx %arg7[%shift_right_logical3A_243, %and3A_246] : memref<41x128xf32, #tpu.memory_space<vmem>>[vector<16xi32>, vector<16xi32>], vector<16xf32>,
        %shift_right_arithmetic3A_248 = arith.constant 3 : i32
        %shift_right_arithmetic3A_249 = arith.shrsi %scan3A_235, %shift_right_arithmetic3A_248 : i32
        %and3A_250 = arith.constant 7 : i32
        %and3A_251 = arith.andi %scan3A_235, %and3A_250 : i32
        %mul3A_252 = arith.constant 16 : i32
        %mul3A_253 = arith.muli %and3A_251, %mul3A_252 : i32
        %multiple_of3A_254 = tpu.assume_multiple %mul3A_253, 16 : i32
        %swap3A_255 = arith.index_cast %shift_right_arithmetic3A_249 : i32 to index
        %swap3A_256 = arith.index_cast %multiple_of3A_254 : i32 to index
        %swap3A_257 = tpu.vector_load %arg9[%swap3A_255, %swap3A_256] {strides = array<i32>} : memref<40x128xf32, #tpu.memory_space<vmem>>, vector<16xf32>,
        tpu.vector_store %arg9[%swap3A_255, %swap3A_256], %gather3A_247 {strides = array<i32>} : memref<40x128xf32, #tpu.memory_space<vmem>>, vector<16xf32>,
        %scan3A_258 = arith.constant 0 : i32
        %scan3A_259 = arith.constant 7 : i32
        %scan3A_260 = arith.addi %scan3A_90, %scan3A_259 : i32
        %mul3A_261 = arith.constant 16 : i32
        %mul3A_262 = arith.muli %scan3A_260, %mul3A_261 : i32
        %add3A_263 = vector.broadcast %mul3A_262 : i32 to vector<16xi32>
        %add3A_264 = arith.addi %get3A_69, %add3A_263 : vector<16xi32>
        %add3A_265 = arith.addi %add3A_264, %iota3A : vector<16xi32>
        %shift_right_logical3A_266 = arith.constant 7 : i32
        %shift_right_logical3A_267 = vector.broadcast %shift_right_logical3A_266 : i32 to vector<16xi32>
        %shift_right_logical3A_268 = arith.shrui %add3A_265, %shift_right_logical3A_267 : vector<16xi32>
        %and3A_269 = arith.constant 127 : i32
        %and3A_270 = vector.broadcast %and3A_269 : i32 to vector<16xi32>
        %and3A_271 = arith.andi %add3A_265, %and3A_270 : vector<16xi32>
        %gather3A_272 = tpu.vector_load_idx %arg7[%shift_right_logical3A_268, %and3A_271] : memref<41x128xf32, #tpu.memory_space<vmem>>[vector<16xi32>, vector<16xi32>], vector<16xf32>,
        %shift_right_arithmetic3A_273 = arith.constant 3 : i32
        %shift_right_arithmetic3A_274 = arith.shrsi %scan3A_260, %shift_right_arithmetic3A_273 : i32
        %and3A_275 = arith.constant 7 : i32
        %and3A_276 = arith.andi %scan3A_260, %and3A_275 : i32
        %mul3A_277 = arith.constant 16 : i32
        %mul3A_278 = arith.muli %and3A_276, %mul3A_277 : i32
        %multiple_of3A_279 = tpu.assume_multiple %mul3A_278, 16 : i32
        %swap3A_280 = arith.index_cast %shift_right_arithmetic3A_274 : i32 to index
        %swap3A_281 = arith.index_cast %multiple_of3A_279 : i32 to index
        %swap3A_282 = tpu.vector_load %arg9[%swap3A_280, %swap3A_281] {strides = array<i32>} : memref<40x128xf32, #tpu.memory_space<vmem>>, vector<16xf32>,
        tpu.vector_store %arg9[%swap3A_280, %swap3A_281], %gather3A_272 {strides = array<i32>} : memref<40x128xf32, #tpu.memory_space<vmem>>, vector<16xf32>,
        %scan3A_283 = arith.constant 0 : i32
        scf.yield %scan3A_283 : i32
      }
      %scan3A_81 = arith.constant 320 : i32
      %add3A_82 = arith.addi %mul3A_2, %add3A_25 : i32
      %mul3A_83 = arith.constant 40 : i32
      %mul3A_84 = arith.muli %add3A_82, %mul3A_83 : i32
      %dma_start3A_85 = arith.constant 0 : i32
      %dma_start3A_86 = tpu.memref_slice %arg4[%mul3A_84, %dma_start3A_85] : memref<51200x128xf32, #tpu.memory_space<hbm>> -> memref<40x128xf32, #tpu.memory_space<hbm>>
      %dma_start3A_87 = arith.constant 0 : i32
      %dma_start3A_88 = tpu.memref_slice %arg4[%mul3A_84, %dma_start3A_87] : memref<51200x128xf32, #tpu.memory_space<hbm>> -> memref<40x128xf32, #tpu.memory_space<hbm>>
      tpu.enqueue_dma source(%arg9 : memref<40x128xf32, #tpu.memory_space<vmem>>) target(%dma_start3A_88 : memref<40x128xf32, #tpu.memory_space<hbm>>) target_semaphore(%arg13 : memref<!tpu.dma_semaphore, #tpu.memory_space<semaphore_mem>>)
      %scan3A_89 = arith.constant 0 : i32
      scf.yield %scan3A_89 : i32
    }
    %scan3A_8 = arith.constant 20 : i32
    %mul3A_9 = arith.constant 40 : i32
    %mul3A_10 = arith.muli %mul3A_2, %mul3A_9 : i32
    %dma_wait3A = arith.constant 0 : i32
    %dma_wait3A_11 = tpu.memref_slice %arg4[%mul3A_10, %dma_wait3A] : memref<51200x128xf32, #tpu.memory_space<hbm>> -> memref<40x128xf32, #tpu.memory_space<hbm>>
    %dma_wait3A_12 = arith.constant 0 : i32
    %dma_wait3A_13 = tpu.memref_slice %arg4[%mul3A_10, %dma_wait3A_12] : memref<51200x128xf32, #tpu.memory_space<hbm>> -> memref<40x128xf32, #tpu.memory_space<hbm>>
    tpu.wait_dma2 semaphore(%arg12 : memref<!tpu.dma_semaphore, #tpu.memory_space<semaphore_mem>>) src(%arg8 : memref<40x128xf32, #tpu.memory_space<vmem>>) dst(%dma_wait3A_13 : memref<40x128xf32, #tpu.memory_space<hbm>>)
    %mul3A_14 = arith.constant 40 : i32
    %mul3A_15 = arith.muli %mul3A_2, %mul3A_14 : i32
    %dma_wait3A_16 = arith.constant 0 : i32
    %dma_wait3A_17 = tpu.memref_slice %arg4[%mul3A_15, %dma_wait3A_16] : memref<51200x128xf32, #tpu.memory_space<hbm>> -> memref<40x128xf32, #tpu.memory_space<hbm>>
    %dma_wait3A_18 = arith.constant 0 : i32
    %dma_wait3A_19 = tpu.memref_slice %arg4[%mul3A_15, %dma_wait3A_18] : memref<51200x128xf32, #tpu.memory_space<hbm>> -> memref<40x128xf32, #tpu.memory_space<hbm>>
    tpu.wait_dma2 semaphore(%arg13 : memref<!tpu.dma_semaphore, #tpu.memory_space<semaphore_mem>>) src(%arg9 : memref<40x128xf32, #tpu.memory_space<vmem>>) dst(%dma_wait3A_19 : memref<40x128xf32, #tpu.memory_space<hbm>>)
    return
  }
}

module attributes {stable_mosaic.version = 14 : i64} {
  func.func @_norm_body(%arg0: i32, %arg1: memref<1x816x128xf32, #tpu.memory_space<vmem>>, %arg2: memref<1x816x128xf32, #tpu.memory_space<vmem>>) attributes {dimension_semantics = [#tpu.dimension_semantics<arbitrary>], iteration_bounds = array<i64: 128>, scalar_prefetch = 0 : i64, scratch_operands = 0 : i64, tpu.core_type = #tpu.core_type<tc>, window_params = [{transform_indices = @transform_0, window_bounds = array<i64: 1, 816, 128>}, {transform_indices = @transform_1, window_bounds = array<i64: 1, 816, 128>}]} {
    %get3A = arith.constant 0 : index
    %get3A_0 = arith.constant 0 : index
    %get3A_1 = arith.constant 0 : index
    %get3A_2 = vector.load %arg1[%get3A, %get3A_0, %get3A_1] : memref<1x816x128xf32, #tpu.memory_space<vmem>>, vector<1x816x128xf32>
    %get3A_3 = vector.shape_cast %get3A_2 : vector<1x816x128xf32> to vector<816x128xf32>
    %iota3A = tpu.iota {dimensions = array<i32: 1>} : vector<816x128xi32>
    %iota3A_4 = tpu.iota {dimensions = array<i32: 0>} : vector<816x128xi32>
    %mul3A = arith.constant 2 : i32
    %mul3A_5 = vector.broadcast %mul3A : i32 to vector<816x128xi32>
    %mul3A_6 = arith.muli %mul3A_5, %iota3A_4 : vector<816x128xi32>
    %add3A = arith.addi %mul3A_6, %iota3A : vector<816x128xi32>
    %jit3A = arith.constant 3 : i32
    %eq3A = arith.constant 0 : i32
    %eq3A_7 = arith.cmpi eq, %jit3A, %eq3A : i32
    %jit3A_8 = arith.constant 1 : i32
    %select_n3A = arith.select %eq3A_7, %jit3A_8, %jit3A : i32
    %rem3A = vector.broadcast %select_n3A : i32 to vector<816x128xi32>
    %rem3A_9 = arith.remsi %add3A, %rem3A : vector<816x128xi32>
    %ne3A = arith.constant 0 : i32
    %ne3A_10 = vector.broadcast %ne3A : i32 to vector<816x128xi32>
    %ne3A_11 = arith.cmpi ne, %rem3A_9, %ne3A_10 : vector<816x128xi32>
    %lt3A = arith.constant 0 : i32
    %lt3A_12 = vector.broadcast %lt3A : i32 to vector<816x128xi32>
    %lt3A_13 = arith.cmpi slt, %rem3A_9, %lt3A_12 : vector<816x128xi32>
    %lt3A_14 = arith.constant 0 : i32
    %lt3A_15 = arith.cmpi slt, %select_n3A, %lt3A_14 : i32
    %ne3A_16 = vector.broadcast %lt3A_15 : i1 to vector<816x128xi1>
    %ne3A_17 = vector.broadcast %ne3A_16 : vector<816x128xi1> to vector<816x128xi1>
    %ne3A_18 = arith.xori %lt3A_13, %ne3A_17 : vector<816x128xi1>
    %and3A = arith.andi %ne3A_18, %ne3A_11 : vector<816x128xi1>
    %add3A_19 = vector.broadcast %select_n3A : i32 to vector<816x128xi32>
    %add3A_20 = arith.addi %rem3A_9, %add3A_19 : vector<816x128xi32>
    %select_n3A_21 = arith.select %and3A, %add3A_20, %rem3A_9 : vector<816x128xi1>, vector<816x128xi32>
    %slice3A = vector.extract_strided_slice %get3A_3 {offsets = [1, 0], sizes = [815, 128], strides = [1, 1]} : vector<816x128xf32> to vector<815x128xf32>
    %slice3A_22 = vector.extract_strided_slice %get3A_3 {offsets = [0, 0], sizes = [1, 128], strides = [1, 1]} : vector<816x128xf32> to vector<1x128xf32>
    %concatenate3A = tpu.concatenate %slice3A, %slice3A_22 in 0 : vector<815x128xf32>, vector<1x128xf32> -> vector<816x128xf32>
    %slice3A_23 = vector.extract_strided_slice %get3A_3 {offsets = [0, 1], sizes = [816, 127], strides = [1, 1]} : vector<816x128xf32> to vector<816x127xf32>
    %slice3A_24 = vector.extract_strided_slice %get3A_3 {offsets = [0, 0], sizes = [816, 1], strides = [1, 1]} : vector<816x128xf32> to vector<816x1xf32>
    %concatenate3A_25 = tpu.concatenate %slice3A_23, %slice3A_24 in 1 : vector<816x127xf32>, vector<816x1xf32> -> vector<816x128xf32>
    %slice3A_26 = vector.extract_strided_slice %get3A_3 {offsets = [0, 2], sizes = [816, 126], strides = [1, 1]} : vector<816x128xf32> to vector<816x126xf32>
    %slice3A_27 = vector.extract_strided_slice %get3A_3 {offsets = [0, 0], sizes = [816, 2], strides = [1, 1]} : vector<816x128xf32> to vector<816x2xf32>
    %concatenate3A_28 = tpu.concatenate %slice3A_26, %slice3A_27 in 1 : vector<816x126xf32>, vector<816x2xf32> -> vector<816x128xf32>
    %slice3A_29 = vector.extract_strided_slice %concatenate3A {offsets = [0, 1], sizes = [816, 127], strides = [1, 1]} : vector<816x128xf32> to vector<816x127xf32>
    %slice3A_30 = vector.extract_strided_slice %concatenate3A {offsets = [0, 0], sizes = [816, 1], strides = [1, 1]} : vector<816x128xf32> to vector<816x1xf32>
    %concatenate3A_31 = tpu.concatenate %slice3A_29, %slice3A_30 in 1 : vector<816x127xf32>, vector<816x1xf32> -> vector<816x128xf32>
    %slice3A_32 = vector.extract_strided_slice %concatenate3A {offsets = [0, 2], sizes = [816, 126], strides = [1, 1]} : vector<816x128xf32> to vector<816x126xf32>
    %slice3A_33 = vector.extract_strided_slice %concatenate3A {offsets = [0, 0], sizes = [816, 2], strides = [1, 1]} : vector<816x128xf32> to vector<816x2xf32>
    %concatenate3A_34 = tpu.concatenate %slice3A_32, %slice3A_33 in 1 : vector<816x126xf32>, vector<816x2xf32> -> vector<816x128xf32>
    %eq3A_35 = arith.constant 127 : i32
    %eq3A_36 = vector.broadcast %eq3A_35 : i32 to vector<816x128xi32>
    %eq3A_37 = arith.cmpi eq, %iota3A, %eq3A_36 : vector<816x128xi32>
    %select_n3A_38 = arith.select %eq3A_37, %concatenate3A_31, %concatenate3A_25 : vector<816x128xi1>, vector<816x128xf32>
    %ge3A = arith.constant 126 : i32
    %ge3A_39 = vector.broadcast %ge3A : i32 to vector<816x128xi32>
    %ge3A_40 = arith.cmpi sge, %iota3A, %ge3A_39 : vector<816x128xi32>
    %select_n3A_41 = arith.select %ge3A_40, %concatenate3A_34, %concatenate3A_28 : vector<816x128xi1>, vector<816x128xf32>
    %eq3A_42 = arith.constant 0 : i32
    %eq3A_43 = vector.broadcast %eq3A_42 : i32 to vector<816x128xi32>
    %eq3A_44 = arith.cmpi eq, %select_n3A_21, %eq3A_43 : vector<816x128xi32>
    %eq3A_45 = arith.constant 1 : i32
    %eq3A_46 = vector.broadcast %eq3A_45 : i32 to vector<816x128xi32>
    %eq3A_47 = arith.cmpi eq, %select_n3A_21, %eq3A_46 : vector<816x128xi32>
    %select_n3A_48 = arith.select %eq3A_47, %select_n3A_38, %get3A_3 : vector<816x128xi1>, vector<816x128xf32>
    %select_n3A_49 = arith.select %eq3A_44, %select_n3A_41, %select_n3A_48 : vector<816x128xi1>, vector<816x128xf32>
    %eq3A_50 = arith.constant 0 : i32
    %eq3A_51 = vector.broadcast %eq3A_50 : i32 to vector<816x128xi32>
    %eq3A_52 = arith.cmpi eq, %select_n3A_21, %eq3A_51 : vector<816x128xi32>
    %eq3A_53 = arith.constant 1 : i32
    %eq3A_54 = vector.broadcast %eq3A_53 : i32 to vector<816x128xi32>
    %eq3A_55 = arith.cmpi eq, %select_n3A_21, %eq3A_54 : vector<816x128xi32>
    %jit3A_56 = arith.constant 0.00347222225 : f32
    %jit3A_57 = arith.constant 1.000000e+00 : f32
    %broadcast_in_dim3A = vector.broadcast %jit3A_56 : f32 to vector<816x128xf32>
    %broadcast_in_dim3A_58 = vector.broadcast %jit3A_57 : f32 to vector<816x128xf32>
    %select_n3A_59 = arith.select %eq3A_55, %broadcast_in_dim3A, %broadcast_in_dim3A_58 : vector<816x128xi1>, vector<816x128xf32>
    %jit3A_60 = arith.constant 0.00208333344 : f32
    %broadcast_in_dim3A_61 = vector.broadcast %jit3A_60 : f32 to vector<816x128xf32>
    %select_n3A_62 = arith.select %eq3A_52, %broadcast_in_dim3A_61, %select_n3A_59 : vector<816x128xi1>, vector<816x128xf32>
    %eq3A_63 = arith.constant 2 : i32
    %eq3A_64 = vector.broadcast %eq3A_63 : i32 to vector<816x128xi32>
    %eq3A_65 = arith.cmpi eq, %select_n3A_21, %eq3A_64 : vector<816x128xi32>
    %jit3A_66 = arith.constant 0.000000e+00 : f32
    %jit3A_67 = arith.constant -1.000000e+00 : f32
    %broadcast_in_dim3A_68 = vector.broadcast %jit3A_66 : f32 to vector<816x128xf32>
    %broadcast_in_dim3A_69 = vector.broadcast %jit3A_67 : f32 to vector<816x128xf32>
    %select_n3A_70 = arith.select %eq3A_65, %broadcast_in_dim3A_68, %broadcast_in_dim3A_69 : vector<816x128xi1>, vector<816x128xf32>
    %eq3A_71 = arith.constant 2 : i32
    %eq3A_72 = vector.broadcast %eq3A_71 : i32 to vector<816x128xi32>
    %eq3A_73 = arith.cmpi eq, %select_n3A_21, %eq3A_72 : vector<816x128xi32>
    %le3A = arith.constant 0.00999999977 : f32
    %le3A_74 = vector.broadcast %le3A : f32 to vector<816x128xf32>
    %le3A_75 = arith.cmpf ole, %select_n3A_49, %le3A_74 : vector<816x128xf32>
    %mul3A_76 = arith.mulf %get3A_3, %select_n3A_62 : vector<816x128xf32>
    %add3A_77 = arith.addf %mul3A_76, %select_n3A_70 : vector<816x128xf32>
    %jit3A_78 = arith.constant 0.000000e+00 : f32
    %broadcast_in_dim3A_79 = vector.broadcast %jit3A_78 : f32 to vector<816x128xf32>
    %select_n3A_80 = arith.select %le3A_75, %broadcast_in_dim3A_79, %add3A_77 : vector<816x128xi1>, vector<816x128xf32>
    %select_n3A_81 = arith.select %eq3A_73, %get3A_3, %select_n3A_80 : vector<816x128xi1>, vector<816x128xf32>
    %swap3A = arith.constant 0 : index
    %swap3A_82 = arith.constant 0 : index
    %swap3A_83 = arith.constant 0 : index
    %swap3A_84 = vector.load %arg2[%swap3A, %swap3A_82, %swap3A_83] : memref<1x816x128xf32, #tpu.memory_space<vmem>>, vector<1x816x128xf32>
    %swap3A_85 = vector.shape_cast %swap3A_84 : vector<1x816x128xf32> to vector<816x128xf32>
    %swap3A_86 = vector.shape_cast %select_n3A_81 : vector<816x128xf32> to vector<1x816x128xf32>
    tpu.vector_store %arg2[%swap3A, %swap3A_82, %swap3A_83], %swap3A_86 {strides = array<i32>} : memref<1x816x128xf32, #tpu.memory_space<vmem>>, vector<1x816x128xf32>,
    return
  }
  func.func @transform_0(%arg0: i32) -> (i32, i32, i32) {
    %c0_i32 = arith.constant 0 : i32
    %c0_i32_0 = arith.constant 0 : i32
    %c0_i32_1 = arith.constant 0 : i32
    return %arg0, %c0_i32, %c0_i32_0 : i32, i32, i32
  }
  func.func @transform_1(%arg0: i32) -> (i32, i32, i32) {
    %c0_i32 = arith.constant 0 : i32
    %c0_i32_0 = arith.constant 0 : i32
    %c0_i32_1 = arith.constant 0 : i32
    return %arg0, %c0_i32, %c0_i32_0 : i32, i32, i32
  }
}

module attributes {stable_mosaic.version = 14 : i64} {
  func.func @_tc_body(%arg0: i32, %arg1: memref<3840xi32, #tpu.memory_space<smem>>, %arg2: memref<1x2048x51xf32, #tpu.memory_space<vmem>>, %arg3: memref<1x10x100x51xf32, #tpu.memory_space<vmem>>, %arg4: memref<2148x51xf32, #tpu.memory_space<vmem>>) attributes {dimension_semantics = [#tpu.dimension_semantics<arbitrary>], iteration_bounds = array<i64: 384>, scalar_prefetch = 1 : i64, scratch_operands = 1 : i64, tpu.core_type = #tpu.core_type<tc>, window_params = [{transform_indices = @transform_0, window_bounds = array<i64: 1, 2048, 51>}, {transform_indices = @transform_1, window_bounds = array<i64: 1, 10, 100, 51>}]} {
    %get3A = arith.constant 0 : index
    %get3A_0 = arith.constant 0 : index
    %get3A_1 = arith.constant 0 : index
    %get3A_2 = vector.load %arg2[%get3A, %get3A_0, %get3A_1] : memref<1x2048x51xf32, #tpu.memory_space<vmem>>, vector<1x2048x51xf32>
    %get3A_3 = vector.shape_cast %get3A_2 : vector<1x2048x51xf32> to vector<2048x51xf32>
    %swap3A = arith.constant 0 : index
    %swap3A_4 = arith.constant 0 : index
    %swap3A_5 = vector.load %arg4[%swap3A, %swap3A_4] : memref<2148x51xf32, #tpu.memory_space<vmem>>, vector<2048x51xf32>
    tpu.vector_store %arg4[%swap3A, %swap3A_4], %get3A_3 {strides = array<i32>} : memref<2148x51xf32, #tpu.memory_space<vmem>>, vector<2048x51xf32>,
    %get3A_6 = arith.constant 0 : index
    %get3A_7 = arith.constant 0 : index
    %get3A_8 = arith.constant 0 : index
    %get3A_9 = vector.load %arg2[%get3A_6, %get3A_7, %get3A_8] : memref<1x2048x51xf32, #tpu.memory_space<vmem>>, vector<1x100x51xf32>
    %get3A_10 = vector.shape_cast %get3A_9 : vector<1x100x51xf32> to vector<100x51xf32>
    %swap3A_11 = arith.constant 2048 : index
    %swap3A_12 = arith.constant 0 : index
    %swap3A_13 = vector.load %arg4[%swap3A_11, %swap3A_12] : memref<2148x51xf32, #tpu.memory_space<vmem>>, vector<100x51xf32>
    tpu.vector_store %arg4[%swap3A_11, %swap3A_12], %get3A_10 {strides = array<i32>} : memref<2148x51xf32, #tpu.memory_space<vmem>>, vector<100x51xf32>,
    %iota3A = tpu.iota {dimensions = array<i32: 1>} : vector<100x51xi32>
    %jit3A = arith.constant 3 : i32
    %eq3A = arith.constant 0 : i32
    %eq3A_14 = arith.cmpi eq, %jit3A, %eq3A : i32
    %jit3A_15 = arith.constant 1 : i32
    %select_n3A = arith.select %eq3A_14, %jit3A_15, %jit3A : i32
    %rem3A = vector.broadcast %select_n3A : i32 to vector<100x51xi32>
    %rem3A_16 = arith.remsi %iota3A, %rem3A : vector<100x51xi32>
    %ne3A = arith.constant 0 : i32
    %ne3A_17 = vector.broadcast %ne3A : i32 to vector<100x51xi32>
    %ne3A_18 = arith.cmpi ne, %rem3A_16, %ne3A_17 : vector<100x51xi32>
    %lt3A = arith.constant 0 : i32
    %lt3A_19 = vector.broadcast %lt3A : i32 to vector<100x51xi32>
    %lt3A_20 = arith.cmpi slt, %rem3A_16, %lt3A_19 : vector<100x51xi32>
    %lt3A_21 = arith.constant 0 : i32
    %lt3A_22 = arith.cmpi slt, %select_n3A, %lt3A_21 : i32
    %ne3A_23 = vector.broadcast %lt3A_22 : i1 to vector<100x51xi1>
    %ne3A_24 = vector.broadcast %ne3A_23 : vector<100x51xi1> to vector<100x51xi1>
    %ne3A_25 = arith.xori %lt3A_20, %ne3A_24 : vector<100x51xi1>
    %and3A = arith.andi %ne3A_25, %ne3A_18 : vector<100x51xi1>
    %add3A = vector.broadcast %select_n3A : i32 to vector<100x51xi32>
    %add3A_26 = arith.addi %rem3A_16, %add3A : vector<100x51xi32>
    %select_n3A_27 = arith.select %and3A, %add3A_26, %rem3A_16 : vector<100x51xi1>, vector<100x51xi32>
    %eq3A_28 = arith.constant 0 : i32
    %eq3A_29 = vector.broadcast %eq3A_28 : i32 to vector<100x51xi32>
    %eq3A_30 = arith.cmpi eq, %select_n3A_27, %eq3A_29 : vector<100x51xi32>
    %eq3A_31 = arith.constant 1 : i32
    %eq3A_32 = vector.broadcast %eq3A_31 : i32 to vector<100x51xi32>
    %eq3A_33 = arith.cmpi eq, %select_n3A_27, %eq3A_32 : vector<100x51xi32>
    %jit3A_34 = arith.constant 0.00347222225 : f32
    %jit3A_35 = arith.constant 1.000000e+00 : f32
    %broadcast_in_dim3A = vector.broadcast %jit3A_34 : f32 to vector<100x51xf32>
    %broadcast_in_dim3A_36 = vector.broadcast %jit3A_35 : f32 to vector<100x51xf32>
    %select_n3A_37 = arith.select %eq3A_33, %broadcast_in_dim3A, %broadcast_in_dim3A_36 : vector<100x51xi1>, vector<100x51xf32>
    %jit3A_38 = arith.constant 0.00208333344 : f32
    %broadcast_in_dim3A_39 = vector.broadcast %jit3A_38 : f32 to vector<100x51xf32>
    %select_n3A_40 = arith.select %eq3A_30, %broadcast_in_dim3A_39, %select_n3A_37 : vector<100x51xi1>, vector<100x51xf32>
    %eq3A_41 = arith.constant 2 : i32
    %eq3A_42 = vector.broadcast %eq3A_41 : i32 to vector<100x51xi32>
    %eq3A_43 = arith.cmpi eq, %select_n3A_27, %eq3A_42 : vector<100x51xi32>
    %jit3A_44 = arith.constant 0.000000e+00 : f32
    %jit3A_45 = arith.constant -1.000000e+00 : f32
    %broadcast_in_dim3A_46 = vector.broadcast %jit3A_44 : f32 to vector<100x51xf32>
    %broadcast_in_dim3A_47 = vector.broadcast %jit3A_45 : f32 to vector<100x51xf32>
    %select_n3A_48 = arith.select %eq3A_43, %broadcast_in_dim3A_46, %broadcast_in_dim3A_47 : vector<100x51xi1>, vector<100x51xf32>
    %mul3A = arith.constant 10 : i32
    %mul3A_49 = arith.muli %arg0, %mul3A : i32
    %add3A_50 = arith.constant 0 : i32
    %add3A_51 = arith.addi %mul3A_49, %add3A_50 : i32
    %get3A_52 = arith.index_cast %add3A_51 : i32 to index
    %get3A_53 = memref.load %arg1[%get3A_52] : memref<3840xi32, #tpu.memory_space<smem>>
    %get3A_54 = arith.index_cast %get3A_53 : i32 to index
    %get3A_55 = arith.constant 0 : index
    %get3A_56 = vector.load %arg4[%get3A_54, %get3A_55] : memref<2148x51xf32, #tpu.memory_space<vmem>>, vector<100x51xf32>
    %eq3A_57 = arith.constant 0 : i32
    %eq3A_58 = vector.broadcast %eq3A_57 : i32 to vector<100x51xi32>
    %eq3A_59 = arith.cmpi eq, %select_n3A_27, %eq3A_58 : vector<100x51xi32>
    %slice3A = vector.extract_strided_slice %get3A_56 {offsets = [0, 2], sizes = [100, 49], strides = [1, 1]} : vector<100x51xf32> to vector<100x49xf32>
    %slice3A_60 = vector.extract_strided_slice %get3A_56 {offsets = [0, 0], sizes = [100, 2], strides = [1, 1]} : vector<100x51xf32> to vector<100x2xf32>
    %concatenate3A = tpu.concatenate %slice3A, %slice3A_60 in 1 : vector<100x49xf32>, vector<100x2xf32> -> vector<100x51xf32>
    %eq3A_61 = arith.constant 1 : i32
    %eq3A_62 = vector.broadcast %eq3A_61 : i32 to vector<100x51xi32>
    %eq3A_63 = arith.cmpi eq, %select_n3A_27, %eq3A_62 : vector<100x51xi32>
    %slice3A_64 = vector.extract_strided_slice %get3A_56 {offsets = [0, 1], sizes = [100, 50], strides = [1, 1]} : vector<100x51xf32> to vector<100x50xf32>
    %slice3A_65 = vector.extract_strided_slice %get3A_56 {offsets = [0, 0], sizes = [100, 1], strides = [1, 1]} : vector<100x51xf32> to vector<100x1xf32>
    %concatenate3A_66 = tpu.concatenate %slice3A_64, %slice3A_65 in 1 : vector<100x50xf32>, vector<100x1xf32> -> vector<100x51xf32>
    %select_n3A_67 = arith.select %eq3A_63, %concatenate3A_66, %get3A_56 : vector<100x51xi1>, vector<100x51xf32>
    %select_n3A_68 = arith.select %eq3A_59, %concatenate3A, %select_n3A_67 : vector<100x51xi1>, vector<100x51xf32>
    %mul3A_69 = arith.mulf %get3A_56, %select_n3A_40 : vector<100x51xf32>
    %add3A_70 = arith.addf %mul3A_69, %select_n3A_48 : vector<100x51xf32>
    %eq3A_71 = arith.constant 2 : i32
    %eq3A_72 = vector.broadcast %eq3A_71 : i32 to vector<100x51xi32>
    %eq3A_73 = arith.cmpi eq, %select_n3A_27, %eq3A_72 : vector<100x51xi32>
    %le3A = arith.constant 0.00999999977 : f32
    %le3A_74 = vector.broadcast %le3A : f32 to vector<100x51xf32>
    %le3A_75 = arith.cmpf ole, %select_n3A_68, %le3A_74 : vector<100x51xf32>
    %jit3A_76 = arith.constant 0.000000e+00 : f32
    %broadcast_in_dim3A_77 = vector.broadcast %jit3A_76 : f32 to vector<100x51xf32>
    %select_n3A_78 = arith.select %le3A_75, %broadcast_in_dim3A_77, %add3A_70 : vector<100x51xi1>, vector<100x51xf32>
    %select_n3A_79 = arith.select %eq3A_73, %get3A_56, %select_n3A_78 : vector<100x51xi1>, vector<100x51xf32>
    %swap3A_80 = arith.constant 0 : index
    %swap3A_81 = arith.constant 0 : index
    %swap3A_82 = arith.constant 0 : index
    %swap3A_83 = arith.constant 0 : index
    %swap3A_84 = vector.load %arg3[%swap3A_80, %swap3A_81, %swap3A_82, %swap3A_83] : memref<1x10x100x51xf32, #tpu.memory_space<vmem>>, vector<1x1x100x51xf32>
    %swap3A_85 = vector.shape_cast %swap3A_84 : vector<1x1x100x51xf32> to vector<100x51xf32>
    %swap3A_86 = vector.shape_cast %select_n3A_79 : vector<100x51xf32> to vector<1x1x100x51xf32>
    tpu.vector_store %arg3[%swap3A_80, %swap3A_81, %swap3A_82, %swap3A_83], %swap3A_86 {strides = array<i32>} : memref<1x10x100x51xf32, #tpu.memory_space<vmem>>, vector<1x1x100x51xf32>,
    %mul3A_87 = arith.constant 10 : i32
    %mul3A_88 = arith.muli %arg0, %mul3A_87 : i32
    %add3A_89 = arith.constant 1 : i32
    %add3A_90 = arith.addi %mul3A_88, %add3A_89 : i32
    %get3A_91 = arith.index_cast %add3A_90 : i32 to index
    %get3A_92 = memref.load %arg1[%get3A_91] : memref<3840xi32, #tpu.memory_space<smem>>
    %get3A_93 = arith.index_cast %get3A_92 : i32 to index
    %get3A_94 = arith.constant 0 : index
    %get3A_95 = vector.load %arg4[%get3A_93, %get3A_94] : memref<2148x51xf32, #tpu.memory_space<vmem>>, vector<100x51xf32>
    %eq3A_96 = arith.constant 0 : i32
    %eq3A_97 = vector.broadcast %eq3A_96 : i32 to vector<100x51xi32>
    %eq3A_98 = arith.cmpi eq, %select_n3A_27, %eq3A_97 : vector<100x51xi32>
    %slice3A_99 = vector.extract_strided_slice %get3A_95 {offsets = [0, 2], sizes = [100, 49], strides = [1, 1]} : vector<100x51xf32> to vector<100x49xf32>
    %slice3A_100 = vector.extract_strided_slice %get3A_95 {offsets = [0, 0], sizes = [100, 2], strides = [1, 1]} : vector<100x51xf32> to vector<100x2xf32>
    %concatenate3A_101 = tpu.concatenate %slice3A_99, %slice3A_100 in 1 : vector<100x49xf32>, vector<100x2xf32> -> vector<100x51xf32>
    %eq3A_102 = arith.constant 1 : i32
    %eq3A_103 = vector.broadcast %eq3A_102 : i32 to vector<100x51xi32>
    %eq3A_104 = arith.cmpi eq, %select_n3A_27, %eq3A_103 : vector<100x51xi32>
    %slice3A_105 = vector.extract_strided_slice %get3A_95 {offsets = [0, 1], sizes = [100, 50], strides = [1, 1]} : vector<100x51xf32> to vector<100x50xf32>
    %slice3A_106 = vector.extract_strided_slice %get3A_95 {offsets = [0, 0], sizes = [100, 1], strides = [1, 1]} : vector<100x51xf32> to vector<100x1xf32>
    %concatenate3A_107 = tpu.concatenate %slice3A_105, %slice3A_106 in 1 : vector<100x50xf32>, vector<100x1xf32> -> vector<100x51xf32>
    %select_n3A_108 = arith.select %eq3A_104, %concatenate3A_107, %get3A_95 : vector<100x51xi1>, vector<100x51xf32>
    %select_n3A_109 = arith.select %eq3A_98, %concatenate3A_101, %select_n3A_108 : vector<100x51xi1>, vector<100x51xf32>
    %mul3A_110 = arith.mulf %get3A_95, %select_n3A_40 : vector<100x51xf32>
    %add3A_111 = arith.addf %mul3A_110, %select_n3A_48 : vector<100x51xf32>
    %eq3A_112 = arith.constant 2 : i32
    %eq3A_113 = vector.broadcast %eq3A_112 : i32 to vector<100x51xi32>
    %eq3A_114 = arith.cmpi eq, %select_n3A_27, %eq3A_113 : vector<100x51xi32>
    %le3A_115 = arith.constant 0.00999999977 : f32
    %le3A_116 = vector.broadcast %le3A_115 : f32 to vector<100x51xf32>
    %le3A_117 = arith.cmpf ole, %select_n3A_109, %le3A_116 : vector<100x51xf32>
    %jit3A_118 = arith.constant 0.000000e+00 : f32
    %broadcast_in_dim3A_119 = vector.broadcast %jit3A_118 : f32 to vector<100x51xf32>
    %select_n3A_120 = arith.select %le3A_117, %broadcast_in_dim3A_119, %add3A_111 : vector<100x51xi1>, vector<100x51xf32>
    %select_n3A_121 = arith.select %eq3A_114, %get3A_95, %select_n3A_120 : vector<100x51xi1>, vector<100x51xf32>
    %swap3A_122 = arith.constant 0 : index
    %swap3A_123 = arith.constant 1 : index
    %swap3A_124 = arith.constant 0 : index
    %swap3A_125 = arith.constant 0 : index
    %swap3A_126 = vector.load %arg3[%swap3A_122, %swap3A_123, %swap3A_124, %swap3A_125] : memref<1x10x100x51xf32, #tpu.memory_space<vmem>>, vector<1x1x100x51xf32>
    %swap3A_127 = vector.shape_cast %swap3A_126 : vector<1x1x100x51xf32> to vector<100x51xf32>
    %swap3A_128 = vector.shape_cast %select_n3A_121 : vector<100x51xf32> to vector<1x1x100x51xf32>
    tpu.vector_store %arg3[%swap3A_122, %swap3A_123, %swap3A_124, %swap3A_125], %swap3A_128 {strides = array<i32>} : memref<1x10x100x51xf32, #tpu.memory_space<vmem>>, vector<1x1x100x51xf32>,
    %mul3A_129 = arith.constant 10 : i32
    %mul3A_130 = arith.muli %arg0, %mul3A_129 : i32
    %add3A_131 = arith.constant 2 : i32
    %add3A_132 = arith.addi %mul3A_130, %add3A_131 : i32
    %get3A_133 = arith.index_cast %add3A_132 : i32 to index
    %get3A_134 = memref.load %arg1[%get3A_133] : memref<3840xi32, #tpu.memory_space<smem>>
    %get3A_135 = arith.index_cast %get3A_134 : i32 to index
    %get3A_136 = arith.constant 0 : index
    %get3A_137 = vector.load %arg4[%get3A_135, %get3A_136] : memref<2148x51xf32, #tpu.memory_space<vmem>>, vector<100x51xf32>
    %eq3A_138 = arith.constant 0 : i32
    %eq3A_139 = vector.broadcast %eq3A_138 : i32 to vector<100x51xi32>
    %eq3A_140 = arith.cmpi eq, %select_n3A_27, %eq3A_139 : vector<100x51xi32>
    %slice3A_141 = vector.extract_strided_slice %get3A_137 {offsets = [0, 2], sizes = [100, 49], strides = [1, 1]} : vector<100x51xf32> to vector<100x49xf32>
    %slice3A_142 = vector.extract_strided_slice %get3A_137 {offsets = [0, 0], sizes = [100, 2], strides = [1, 1]} : vector<100x51xf32> to vector<100x2xf32>
    %concatenate3A_143 = tpu.concatenate %slice3A_141, %slice3A_142 in 1 : vector<100x49xf32>, vector<100x2xf32> -> vector<100x51xf32>
    %eq3A_144 = arith.constant 1 : i32
    %eq3A_145 = vector.broadcast %eq3A_144 : i32 to vector<100x51xi32>
    %eq3A_146 = arith.cmpi eq, %select_n3A_27, %eq3A_145 : vector<100x51xi32>
    %slice3A_147 = vector.extract_strided_slice %get3A_137 {offsets = [0, 1], sizes = [100, 50], strides = [1, 1]} : vector<100x51xf32> to vector<100x50xf32>
    %slice3A_148 = vector.extract_strided_slice %get3A_137 {offsets = [0, 0], sizes = [100, 1], strides = [1, 1]} : vector<100x51xf32> to vector<100x1xf32>
    %concatenate3A_149 = tpu.concatenate %slice3A_147, %slice3A_148 in 1 : vector<100x50xf32>, vector<100x1xf32> -> vector<100x51xf32>
    %select_n3A_150 = arith.select %eq3A_146, %concatenate3A_149, %get3A_137 : vector<100x51xi1>, vector<100x51xf32>
    %select_n3A_151 = arith.select %eq3A_140, %concatenate3A_143, %select_n3A_150 : vector<100x51xi1>, vector<100x51xf32>
    %mul3A_152 = arith.mulf %get3A_137, %select_n3A_40 : vector<100x51xf32>
    %add3A_153 = arith.addf %mul3A_152, %select_n3A_48 : vector<100x51xf32>
    %eq3A_154 = arith.constant 2 : i32
    %eq3A_155 = vector.broadcast %eq3A_154 : i32 to vector<100x51xi32>
    %eq3A_156 = arith.cmpi eq, %select_n3A_27, %eq3A_155 : vector<100x51xi32>
    %le3A_157 = arith.constant 0.00999999977 : f32
    %le3A_158 = vector.broadcast %le3A_157 : f32 to vector<100x51xf32>
    %le3A_159 = arith.cmpf ole, %select_n3A_151, %le3A_158 : vector<100x51xf32>
    %jit3A_160 = arith.constant 0.000000e+00 : f32
    %broadcast_in_dim3A_161 = vector.broadcast %jit3A_160 : f32 to vector<100x51xf32>
    %select_n3A_162 = arith.select %le3A_159, %broadcast_in_dim3A_161, %add3A_153 : vector<100x51xi1>, vector<100x51xf32>
    %select_n3A_163 = arith.select %eq3A_156, %get3A_137, %select_n3A_162 : vector<100x51xi1>, vector<100x51xf32>
    %swap3A_164 = arith.constant 0 : index
    %swap3A_165 = arith.constant 2 : index
    %swap3A_166 = arith.constant 0 : index
    %swap3A_167 = arith.constant 0 : index
    %swap3A_168 = vector.load %arg3[%swap3A_164, %swap3A_165, %swap3A_166, %swap3A_167] : memref<1x10x100x51xf32, #tpu.memory_space<vmem>>, vector<1x1x100x51xf32>
    %swap3A_169 = vector.shape_cast %swap3A_168 : vector<1x1x100x51xf32> to vector<100x51xf32>
    %swap3A_170 = vector.shape_cast %select_n3A_163 : vector<100x51xf32> to vector<1x1x100x51xf32>
    tpu.vector_store %arg3[%swap3A_164, %swap3A_165, %swap3A_166, %swap3A_167], %swap3A_170 {strides = array<i32>} : memref<1x10x100x51xf32, #tpu.memory_space<vmem>>, vector<1x1x100x51xf32>,
    %mul3A_171 = arith.constant 10 : i32
    %mul3A_172 = arith.muli %arg0, %mul3A_171 : i32
    %add3A_173 = arith.constant 3 : i32
    %add3A_174 = arith.addi %mul3A_172, %add3A_173 : i32
    %get3A_175 = arith.index_cast %add3A_174 : i32 to index
    %get3A_176 = memref.load %arg1[%get3A_175] : memref<3840xi32, #tpu.memory_space<smem>>
    %get3A_177 = arith.index_cast %get3A_176 : i32 to index
    %get3A_178 = arith.constant 0 : index
    %get3A_179 = vector.load %arg4[%get3A_177, %get3A_178] : memref<2148x51xf32, #tpu.memory_space<vmem>>, vector<100x51xf32>
    %eq3A_180 = arith.constant 0 : i32
    %eq3A_181 = vector.broadcast %eq3A_180 : i32 to vector<100x51xi32>
    %eq3A_182 = arith.cmpi eq, %select_n3A_27, %eq3A_181 : vector<100x51xi32>
    %slice3A_183 = vector.extract_strided_slice %get3A_179 {offsets = [0, 2], sizes = [100, 49], strides = [1, 1]} : vector<100x51xf32> to vector<100x49xf32>
    %slice3A_184 = vector.extract_strided_slice %get3A_179 {offsets = [0, 0], sizes = [100, 2], strides = [1, 1]} : vector<100x51xf32> to vector<100x2xf32>
    %concatenate3A_185 = tpu.concatenate %slice3A_183, %slice3A_184 in 1 : vector<100x49xf32>, vector<100x2xf32> -> vector<100x51xf32>
    %eq3A_186 = arith.constant 1 : i32
    %eq3A_187 = vector.broadcast %eq3A_186 : i32 to vector<100x51xi32>
    %eq3A_188 = arith.cmpi eq, %select_n3A_27, %eq3A_187 : vector<100x51xi32>
    %slice3A_189 = vector.extract_strided_slice %get3A_179 {offsets = [0, 1], sizes = [100, 50], strides = [1, 1]} : vector<100x51xf32> to vector<100x50xf32>
    %slice3A_190 = vector.extract_strided_slice %get3A_179 {offsets = [0, 0], sizes = [100, 1], strides = [1, 1]} : vector<100x51xf32> to vector<100x1xf32>
    %concatenate3A_191 = tpu.concatenate %slice3A_189, %slice3A_190 in 1 : vector<100x50xf32>, vector<100x1xf32> -> vector<100x51xf32>
    %select_n3A_192 = arith.select %eq3A_188, %concatenate3A_191, %get3A_179 : vector<100x51xi1>, vector<100x51xf32>
    %select_n3A_193 = arith.select %eq3A_182, %concatenate3A_185, %select_n3A_192 : vector<100x51xi1>, vector<100x51xf32>
    %mul3A_194 = arith.mulf %get3A_179, %select_n3A_40 : vector<100x51xf32>
    %add3A_195 = arith.addf %mul3A_194, %select_n3A_48 : vector<100x51xf32>
    %eq3A_196 = arith.constant 2 : i32
    %eq3A_197 = vector.broadcast %eq3A_196 : i32 to vector<100x51xi32>
    %eq3A_198 = arith.cmpi eq, %select_n3A_27, %eq3A_197 : vector<100x51xi32>
    %le3A_199 = arith.constant 0.00999999977 : f32
    %le3A_200 = vector.broadcast %le3A_199 : f32 to vector<100x51xf32>
    %le3A_201 = arith.cmpf ole, %select_n3A_193, %le3A_200 : vector<100x51xf32>
    %jit3A_202 = arith.constant 0.000000e+00 : f32
    %broadcast_in_dim3A_203 = vector.broadcast %jit3A_202 : f32 to vector<100x51xf32>
    %select_n3A_204 = arith.select %le3A_201, %broadcast_in_dim3A_203, %add3A_195 : vector<100x51xi1>, vector<100x51xf32>
    %select_n3A_205 = arith.select %eq3A_198, %get3A_179, %select_n3A_204 : vector<100x51xi1>, vector<100x51xf32>
    %swap3A_206 = arith.constant 0 : index
    %swap3A_207 = arith.constant 3 : index
    %swap3A_208 = arith.constant 0 : index
    %swap3A_209 = arith.constant 0 : index
    %swap3A_210 = vector.load %arg3[%swap3A_206, %swap3A_207, %swap3A_208, %swap3A_209] : memref<1x10x100x51xf32, #tpu.memory_space<vmem>>, vector<1x1x100x51xf32>
    %swap3A_211 = vector.shape_cast %swap3A_210 : vector<1x1x100x51xf32> to vector<100x51xf32>
    %swap3A_212 = vector.shape_cast %select_n3A_205 : vector<100x51xf32> to vector<1x1x100x51xf32>
    tpu.vector_store %arg3[%swap3A_206, %swap3A_207, %swap3A_208, %swap3A_209], %swap3A_212 {strides = array<i32>} : memref<1x10x100x51xf32, #tpu.memory_space<vmem>>, vector<1x1x100x51xf32>,
    %mul3A_213 = arith.constant 10 : i32
    %mul3A_214 = arith.muli %arg0, %mul3A_213 : i32
    %add3A_215 = arith.constant 4 : i32
    %add3A_216 = arith.addi %mul3A_214, %add3A_215 : i32
    %get3A_217 = arith.index_cast %add3A_216 : i32 to index
    %get3A_218 = memref.load %arg1[%get3A_217] : memref<3840xi32, #tpu.memory_space<smem>>
    %get3A_219 = arith.index_cast %get3A_218 : i32 to index
    %get3A_220 = arith.constant 0 : index
    %get3A_221 = vector.load %arg4[%get3A_219, %get3A_220] : memref<2148x51xf32, #tpu.memory_space<vmem>>, vector<100x51xf32>
    %eq3A_222 = arith.constant 0 : i32
    %eq3A_223 = vector.broadcast %eq3A_222 : i32 to vector<100x51xi32>
    %eq3A_224 = arith.cmpi eq, %select_n3A_27, %eq3A_223 : vector<100x51xi32>
    %slice3A_225 = vector.extract_strided_slice %get3A_221 {offsets = [0, 2], sizes = [100, 49], strides = [1, 1]} : vector<100x51xf32> to vector<100x49xf32>
    %slice3A_226 = vector.extract_strided_slice %get3A_221 {offsets = [0, 0], sizes = [100, 2], strides = [1, 1]} : vector<100x51xf32> to vector<100x2xf32>
    %concatenate3A_227 = tpu.concatenate %slice3A_225, %slice3A_226 in 1 : vector<100x49xf32>, vector<100x2xf32> -> vector<100x51xf32>
    %eq3A_228 = arith.constant 1 : i32
    %eq3A_229 = vector.broadcast %eq3A_228 : i32 to vector<100x51xi32>
    %eq3A_230 = arith.cmpi eq, %select_n3A_27, %eq3A_229 : vector<100x51xi32>
    %slice3A_231 = vector.extract_strided_slice %get3A_221 {offsets = [0, 1], sizes = [100, 50], strides = [1, 1]} : vector<100x51xf32> to vector<100x50xf32>
    %slice3A_232 = vector.extract_strided_slice %get3A_221 {offsets = [0, 0], sizes = [100, 1], strides = [1, 1]} : vector<100x51xf32> to vector<100x1xf32>
    %concatenate3A_233 = tpu.concatenate %slice3A_231, %slice3A_232 in 1 : vector<100x50xf32>, vector<100x1xf32> -> vector<100x51xf32>
    %select_n3A_234 = arith.select %eq3A_230, %concatenate3A_233, %get3A_221 : vector<100x51xi1>, vector<100x51xf32>
    %select_n3A_235 = arith.select %eq3A_224, %concatenate3A_227, %select_n3A_234 : vector<100x51xi1>, vector<100x51xf32>
    %mul3A_236 = arith.mulf %get3A_221, %select_n3A_40 : vector<100x51xf32>
    %add3A_237 = arith.addf %mul3A_236, %select_n3A_48 : vector<100x51xf32>
    %eq3A_238 = arith.constant 2 : i32
    %eq3A_239 = vector.broadcast %eq3A_238 : i32 to vector<100x51xi32>
    %eq3A_240 = arith.cmpi eq, %select_n3A_27, %eq3A_239 : vector<100x51xi32>
    %le3A_241 = arith.constant 0.00999999977 : f32
    %le3A_242 = vector.broadcast %le3A_241 : f32 to vector<100x51xf32>
    %le3A_243 = arith.cmpf ole, %select_n3A_235, %le3A_242 : vector<100x51xf32>
    %jit3A_244 = arith.constant 0.000000e+00 : f32
    %broadcast_in_dim3A_245 = vector.broadcast %jit3A_244 : f32 to vector<100x51xf32>
    %select_n3A_246 = arith.select %le3A_243, %broadcast_in_dim3A_245, %add3A_237 : vector<100x51xi1>, vector<100x51xf32>
    %select_n3A_247 = arith.select %eq3A_240, %get3A_221, %select_n3A_246 : vector<100x51xi1>, vector<100x51xf32>
    %swap3A_248 = arith.constant 0 : index
    %swap3A_249 = arith.constant 4 : index
    %swap3A_250 = arith.constant 0 : index
    %swap3A_251 = arith.constant 0 : index
    %swap3A_252 = vector.load %arg3[%swap3A_248, %swap3A_249, %swap3A_250, %swap3A_251] : memref<1x10x100x51xf32, #tpu.memory_space<vmem>>, vector<1x1x100x51xf32>
    %swap3A_253 = vector.shape_cast %swap3A_252 : vector<1x1x100x51xf32> to vector<100x51xf32>
    %swap3A_254 = vector.shape_cast %select_n3A_247 : vector<100x51xf32> to vector<1x1x100x51xf32>
    tpu.vector_store %arg3[%swap3A_248, %swap3A_249, %swap3A_250, %swap3A_251], %swap3A_254 {strides = array<i32>} : memref<1x10x100x51xf32, #tpu.memory_space<vmem>>, vector<1x1x100x51xf32>,
    %mul3A_255 = arith.constant 10 : i32
    %mul3A_256 = arith.muli %arg0, %mul3A_255 : i32
    %add3A_257 = arith.constant 5 : i32
    %add3A_258 = arith.addi %mul3A_256, %add3A_257 : i32
    %get3A_259 = arith.index_cast %add3A_258 : i32 to index
    %get3A_260 = memref.load %arg1[%get3A_259] : memref<3840xi32, #tpu.memory_space<smem>>
    %get3A_261 = arith.index_cast %get3A_260 : i32 to index
    %get3A_262 = arith.constant 0 : index
    %get3A_263 = vector.load %arg4[%get3A_261, %get3A_262] : memref<2148x51xf32, #tpu.memory_space<vmem>>, vector<100x51xf32>
    %eq3A_264 = arith.constant 0 : i32
    %eq3A_265 = vector.broadcast %eq3A_264 : i32 to vector<100x51xi32>
    %eq3A_266 = arith.cmpi eq, %select_n3A_27, %eq3A_265 : vector<100x51xi32>
    %slice3A_267 = vector.extract_strided_slice %get3A_263 {offsets = [0, 2], sizes = [100, 49], strides = [1, 1]} : vector<100x51xf32> to vector<100x49xf32>
    %slice3A_268 = vector.extract_strided_slice %get3A_263 {offsets = [0, 0], sizes = [100, 2], strides = [1, 1]} : vector<100x51xf32> to vector<100x2xf32>
    %concatenate3A_269 = tpu.concatenate %slice3A_267, %slice3A_268 in 1 : vector<100x49xf32>, vector<100x2xf32> -> vector<100x51xf32>
    %eq3A_270 = arith.constant 1 : i32
    %eq3A_271 = vector.broadcast %eq3A_270 : i32 to vector<100x51xi32>
    %eq3A_272 = arith.cmpi eq, %select_n3A_27, %eq3A_271 : vector<100x51xi32>
    %slice3A_273 = vector.extract_strided_slice %get3A_263 {offsets = [0, 1], sizes = [100, 50], strides = [1, 1]} : vector<100x51xf32> to vector<100x50xf32>
    %slice3A_274 = vector.extract_strided_slice %get3A_263 {offsets = [0, 0], sizes = [100, 1], strides = [1, 1]} : vector<100x51xf32> to vector<100x1xf32>
    %concatenate3A_275 = tpu.concatenate %slice3A_273, %slice3A_274 in 1 : vector<100x50xf32>, vector<100x1xf32> -> vector<100x51xf32>
    %select_n3A_276 = arith.select %eq3A_272, %concatenate3A_275, %get3A_263 : vector<100x51xi1>, vector<100x51xf32>
    %select_n3A_277 = arith.select %eq3A_266, %concatenate3A_269, %select_n3A_276 : vector<100x51xi1>, vector<100x51xf32>
    %mul3A_278 = arith.mulf %get3A_263, %select_n3A_40 : vector<100x51xf32>
    %add3A_279 = arith.addf %mul3A_278, %select_n3A_48 : vector<100x51xf32>
    %eq3A_280 = arith.constant 2 : i32
    %eq3A_281 = vector.broadcast %eq3A_280 : i32 to vector<100x51xi32>
    %eq3A_282 = arith.cmpi eq, %select_n3A_27, %eq3A_281 : vector<100x51xi32>
    %le3A_283 = arith.constant 0.00999999977 : f32
    %le3A_284 = vector.broadcast %le3A_283 : f32 to vector<100x51xf32>
    %le3A_285 = arith.cmpf ole, %select_n3A_277, %le3A_284 : vector<100x51xf32>
    %jit3A_286 = arith.constant 0.000000e+00 : f32
    %broadcast_in_dim3A_287 = vector.broadcast %jit3A_286 : f32 to vector<100x51xf32>
    %select_n3A_288 = arith.select %le3A_285, %broadcast_in_dim3A_287, %add3A_279 : vector<100x51xi1>, vector<100x51xf32>
    %select_n3A_289 = arith.select %eq3A_282, %get3A_263, %select_n3A_288 : vector<100x51xi1>, vector<100x51xf32>
    %swap3A_290 = arith.constant 0 : index
    %swap3A_291 = arith.constant 5 : index
    %swap3A_292 = arith.constant 0 : index
    %swap3A_293 = arith.constant 0 : index
    %swap3A_294 = vector.load %arg3[%swap3A_290, %swap3A_291, %swap3A_292, %swap3A_293] : memref<1x10x100x51xf32, #tpu.memory_space<vmem>>, vector<1x1x100x51xf32>
    %swap3A_295 = vector.shape_cast %swap3A_294 : vector<1x1x100x51xf32> to vector<100x51xf32>
    %swap3A_296 = vector.shape_cast %select_n3A_289 : vector<100x51xf32> to vector<1x1x100x51xf32>
    tpu.vector_store %arg3[%swap3A_290, %swap3A_291, %swap3A_292, %swap3A_293], %swap3A_296 {strides = array<i32>} : memref<1x10x100x51xf32, #tpu.memory_space<vmem>>, vector<1x1x100x51xf32>,
    %mul3A_297 = arith.constant 10 : i32
    %mul3A_298 = arith.muli %arg0, %mul3A_297 : i32
    %add3A_299 = arith.constant 6 : i32
    %add3A_300 = arith.addi %mul3A_298, %add3A_299 : i32
    %get3A_301 = arith.index_cast %add3A_300 : i32 to index
    %get3A_302 = memref.load %arg1[%get3A_301] : memref<3840xi32, #tpu.memory_space<smem>>
    %get3A_303 = arith.index_cast %get3A_302 : i32 to index
    %get3A_304 = arith.constant 0 : index
    %get3A_305 = vector.load %arg4[%get3A_303, %get3A_304] : memref<2148x51xf32, #tpu.memory_space<vmem>>, vector<100x51xf32>
    %eq3A_306 = arith.constant 0 : i32
    %eq3A_307 = vector.broadcast %eq3A_306 : i32 to vector<100x51xi32>
    %eq3A_308 = arith.cmpi eq, %select_n3A_27, %eq3A_307 : vector<100x51xi32>
    %slice3A_309 = vector.extract_strided_slice %get3A_305 {offsets = [0, 2], sizes = [100, 49], strides = [1, 1]} : vector<100x51xf32> to vector<100x49xf32>
    %slice3A_310 = vector.extract_strided_slice %get3A_305 {offsets = [0, 0], sizes = [100, 2], strides = [1, 1]} : vector<100x51xf32> to vector<100x2xf32>
    %concatenate3A_311 = tpu.concatenate %slice3A_309, %slice3A_310 in 1 : vector<100x49xf32>, vector<100x2xf32> -> vector<100x51xf32>
    %eq3A_312 = arith.constant 1 : i32
    %eq3A_313 = vector.broadcast %eq3A_312 : i32 to vector<100x51xi32>
    %eq3A_314 = arith.cmpi eq, %select_n3A_27, %eq3A_313 : vector<100x51xi32>
    %slice3A_315 = vector.extract_strided_slice %get3A_305 {offsets = [0, 1], sizes = [100, 50], strides = [1, 1]} : vector<100x51xf32> to vector<100x50xf32>
    %slice3A_316 = vector.extract_strided_slice %get3A_305 {offsets = [0, 0], sizes = [100, 1], strides = [1, 1]} : vector<100x51xf32> to vector<100x1xf32>
    %concatenate3A_317 = tpu.concatenate %slice3A_315, %slice3A_316 in 1 : vector<100x50xf32>, vector<100x1xf32> -> vector<100x51xf32>
    %select_n3A_318 = arith.select %eq3A_314, %concatenate3A_317, %get3A_305 : vector<100x51xi1>, vector<100x51xf32>
    %select_n3A_319 = arith.select %eq3A_308, %concatenate3A_311, %select_n3A_318 : vector<100x51xi1>, vector<100x51xf32>
    %mul3A_320 = arith.mulf %get3A_305, %select_n3A_40 : vector<100x51xf32>
    %add3A_321 = arith.addf %mul3A_320, %select_n3A_48 : vector<100x51xf32>
    %eq3A_322 = arith.constant 2 : i32
    %eq3A_323 = vector.broadcast %eq3A_322 : i32 to vector<100x51xi32>
    %eq3A_324 = arith.cmpi eq, %select_n3A_27, %eq3A_323 : vector<100x51xi32>
    %le3A_325 = arith.constant 0.00999999977 : f32
    %le3A_326 = vector.broadcast %le3A_325 : f32 to vector<100x51xf32>
    %le3A_327 = arith.cmpf ole, %select_n3A_319, %le3A_326 : vector<100x51xf32>
    %jit3A_328 = arith.constant 0.000000e+00 : f32
    %broadcast_in_dim3A_329 = vector.broadcast %jit3A_328 : f32 to vector<100x51xf32>
    %select_n3A_330 = arith.select %le3A_327, %broadcast_in_dim3A_329, %add3A_321 : vector<100x51xi1>, vector<100x51xf32>
    %select_n3A_331 = arith.select %eq3A_324, %get3A_305, %select_n3A_330 : vector<100x51xi1>, vector<100x51xf32>
    %swap3A_332 = arith.constant 0 : index
    %swap3A_333 = arith.constant 6 : index
    %swap3A_334 = arith.constant 0 : index
    %swap3A_335 = arith.constant 0 : index
    %swap3A_336 = vector.load %arg3[%swap3A_332, %swap3A_333, %swap3A_334, %swap3A_335] : memref<1x10x100x51xf32, #tpu.memory_space<vmem>>, vector<1x1x100x51xf32>
    %swap3A_337 = vector.shape_cast %swap3A_336 : vector<1x1x100x51xf32> to vector<100x51xf32>
    %swap3A_338 = vector.shape_cast %select_n3A_331 : vector<100x51xf32> to vector<1x1x100x51xf32>
    tpu.vector_store %arg3[%swap3A_332, %swap3A_333, %swap3A_334, %swap3A_335], %swap3A_338 {strides = array<i32>} : memref<1x10x100x51xf32, #tpu.memory_space<vmem>>, vector<1x1x100x51xf32>,
    %mul3A_339 = arith.constant 10 : i32
    %mul3A_340 = arith.muli %arg0, %mul3A_339 : i32
    %add3A_341 = arith.constant 7 : i32
    %add3A_342 = arith.addi %mul3A_340, %add3A_341 : i32
    %get3A_343 = arith.index_cast %add3A_342 : i32 to index
    %get3A_344 = memref.load %arg1[%get3A_343] : memref<3840xi32, #tpu.memory_space<smem>>
    %get3A_345 = arith.index_cast %get3A_344 : i32 to index
    %get3A_346 = arith.constant 0 : index
    %get3A_347 = vector.load %arg4[%get3A_345, %get3A_346] : memref<2148x51xf32, #tpu.memory_space<vmem>>, vector<100x51xf32>
    %eq3A_348 = arith.constant 0 : i32
    %eq3A_349 = vector.broadcast %eq3A_348 : i32 to vector<100x51xi32>
    %eq3A_350 = arith.cmpi eq, %select_n3A_27, %eq3A_349 : vector<100x51xi32>
    %slice3A_351 = vector.extract_strided_slice %get3A_347 {offsets = [0, 2], sizes = [100, 49], strides = [1, 1]} : vector<100x51xf32> to vector<100x49xf32>
    %slice3A_352 = vector.extract_strided_slice %get3A_347 {offsets = [0, 0], sizes = [100, 2], strides = [1, 1]} : vector<100x51xf32> to vector<100x2xf32>
    %concatenate3A_353 = tpu.concatenate %slice3A_351, %slice3A_352 in 1 : vector<100x49xf32>, vector<100x2xf32> -> vector<100x51xf32>
    %eq3A_354 = arith.constant 1 : i32
    %eq3A_355 = vector.broadcast %eq3A_354 : i32 to vector<100x51xi32>
    %eq3A_356 = arith.cmpi eq, %select_n3A_27, %eq3A_355 : vector<100x51xi32>
    %slice3A_357 = vector.extract_strided_slice %get3A_347 {offsets = [0, 1], sizes = [100, 50], strides = [1, 1]} : vector<100x51xf32> to vector<100x50xf32>
    %slice3A_358 = vector.extract_strided_slice %get3A_347 {offsets = [0, 0], sizes = [100, 1], strides = [1, 1]} : vector<100x51xf32> to vector<100x1xf32>
    %concatenate3A_359 = tpu.concatenate %slice3A_357, %slice3A_358 in 1 : vector<100x50xf32>, vector<100x1xf32> -> vector<100x51xf32>
    %select_n3A_360 = arith.select %eq3A_356, %concatenate3A_359, %get3A_347 : vector<100x51xi1>, vector<100x51xf32>
    %select_n3A_361 = arith.select %eq3A_350, %concatenate3A_353, %select_n3A_360 : vector<100x51xi1>, vector<100x51xf32>
    %mul3A_362 = arith.mulf %get3A_347, %select_n3A_40 : vector<100x51xf32>
    %add3A_363 = arith.addf %mul3A_362, %select_n3A_48 : vector<100x51xf32>
    %eq3A_364 = arith.constant 2 : i32
    %eq3A_365 = vector.broadcast %eq3A_364 : i32 to vector<100x51xi32>
    %eq3A_366 = arith.cmpi eq, %select_n3A_27, %eq3A_365 : vector<100x51xi32>
    %le3A_367 = arith.constant 0.00999999977 : f32
    %le3A_368 = vector.broadcast %le3A_367 : f32 to vector<100x51xf32>
    %le3A_369 = arith.cmpf ole, %select_n3A_361, %le3A_368 : vector<100x51xf32>
    %jit3A_370 = arith.constant 0.000000e+00 : f32
    %broadcast_in_dim3A_371 = vector.broadcast %jit3A_370 : f32 to vector<100x51xf32>
    %select_n3A_372 = arith.select %le3A_369, %broadcast_in_dim3A_371, %add3A_363 : vector<100x51xi1>, vector<100x51xf32>
    %select_n3A_373 = arith.select %eq3A_366, %get3A_347, %select_n3A_372 : vector<100x51xi1>, vector<100x51xf32>
    %swap3A_374 = arith.constant 0 : index
    %swap3A_375 = arith.constant 7 : index
    %swap3A_376 = arith.constant 0 : index
    %swap3A_377 = arith.constant 0 : index
    %swap3A_378 = vector.load %arg3[%swap3A_374, %swap3A_375, %swap3A_376, %swap3A_377] : memref<1x10x100x51xf32, #tpu.memory_space<vmem>>, vector<1x1x100x51xf32>
    %swap3A_379 = vector.shape_cast %swap3A_378 : vector<1x1x100x51xf32> to vector<100x51xf32>
    %swap3A_380 = vector.shape_cast %select_n3A_373 : vector<100x51xf32> to vector<1x1x100x51xf32>
    tpu.vector_store %arg3[%swap3A_374, %swap3A_375, %swap3A_376, %swap3A_377], %swap3A_380 {strides = array<i32>} : memref<1x10x100x51xf32, #tpu.memory_space<vmem>>, vector<1x1x100x51xf32>,
    %mul3A_381 = arith.constant 10 : i32
    %mul3A_382 = arith.muli %arg0, %mul3A_381 : i32
    %add3A_383 = arith.constant 8 : i32
    %add3A_384 = arith.addi %mul3A_382, %add3A_383 : i32
    %get3A_385 = arith.index_cast %add3A_384 : i32 to index
    %get3A_386 = memref.load %arg1[%get3A_385] : memref<3840xi32, #tpu.memory_space<smem>>
    %get3A_387 = arith.index_cast %get3A_386 : i32 to index
    %get3A_388 = arith.constant 0 : index
    %get3A_389 = vector.load %arg4[%get3A_387, %get3A_388] : memref<2148x51xf32, #tpu.memory_space<vmem>>, vector<100x51xf32>
    %eq3A_390 = arith.constant 0 : i32
    %eq3A_391 = vector.broadcast %eq3A_390 : i32 to vector<100x51xi32>
    %eq3A_392 = arith.cmpi eq, %select_n3A_27, %eq3A_391 : vector<100x51xi32>
    %slice3A_393 = vector.extract_strided_slice %get3A_389 {offsets = [0, 2], sizes = [100, 49], strides = [1, 1]} : vector<100x51xf32> to vector<100x49xf32>
    %slice3A_394 = vector.extract_strided_slice %get3A_389 {offsets = [0, 0], sizes = [100, 2], strides = [1, 1]} : vector<100x51xf32> to vector<100x2xf32>
    %concatenate3A_395 = tpu.concatenate %slice3A_393, %slice3A_394 in 1 : vector<100x49xf32>, vector<100x2xf32> -> vector<100x51xf32>
    %eq3A_396 = arith.constant 1 : i32
    %eq3A_397 = vector.broadcast %eq3A_396 : i32 to vector<100x51xi32>
    %eq3A_398 = arith.cmpi eq, %select_n3A_27, %eq3A_397 : vector<100x51xi32>
    %slice3A_399 = vector.extract_strided_slice %get3A_389 {offsets = [0, 1], sizes = [100, 50], strides = [1, 1]} : vector<100x51xf32> to vector<100x50xf32>
    %slice3A_400 = vector.extract_strided_slice %get3A_389 {offsets = [0, 0], sizes = [100, 1], strides = [1, 1]} : vector<100x51xf32> to vector<100x1xf32>
    %concatenate3A_401 = tpu.concatenate %slice3A_399, %slice3A_400 in 1 : vector<100x50xf32>, vector<100x1xf32> -> vector<100x51xf32>
    %select_n3A_402 = arith.select %eq3A_398, %concatenate3A_401, %get3A_389 : vector<100x51xi1>, vector<100x51xf32>
    %select_n3A_403 = arith.select %eq3A_392, %concatenate3A_395, %select_n3A_402 : vector<100x51xi1>, vector<100x51xf32>
    %mul3A_404 = arith.mulf %get3A_389, %select_n3A_40 : vector<100x51xf32>
    %add3A_405 = arith.addf %mul3A_404, %select_n3A_48 : vector<100x51xf32>
    %eq3A_406 = arith.constant 2 : i32
    %eq3A_407 = vector.broadcast %eq3A_406 : i32 to vector<100x51xi32>
    %eq3A_408 = arith.cmpi eq, %select_n3A_27, %eq3A_407 : vector<100x51xi32>
    %le3A_409 = arith.constant 0.00999999977 : f32
    %le3A_410 = vector.broadcast %le3A_409 : f32 to vector<100x51xf32>
    %le3A_411 = arith.cmpf ole, %select_n3A_403, %le3A_410 : vector<100x51xf32>
    %jit3A_412 = arith.constant 0.000000e+00 : f32
    %broadcast_in_dim3A_413 = vector.broadcast %jit3A_412 : f32 to vector<100x51xf32>
    %select_n3A_414 = arith.select %le3A_411, %broadcast_in_dim3A_413, %add3A_405 : vector<100x51xi1>, vector<100x51xf32>
    %select_n3A_415 = arith.select %eq3A_408, %get3A_389, %select_n3A_414 : vector<100x51xi1>, vector<100x51xf32>
    %swap3A_416 = arith.constant 0 : index
    %swap3A_417 = arith.constant 8 : index
    %swap3A_418 = arith.constant 0 : index
    %swap3A_419 = arith.constant 0 : index
    %swap3A_420 = vector.load %arg3[%swap3A_416, %swap3A_417, %swap3A_418, %swap3A_419] : memref<1x10x100x51xf32, #tpu.memory_space<vmem>>, vector<1x1x100x51xf32>
    %swap3A_421 = vector.shape_cast %swap3A_420 : vector<1x1x100x51xf32> to vector<100x51xf32>
    %swap3A_422 = vector.shape_cast %select_n3A_415 : vector<100x51xf32> to vector<1x1x100x51xf32>
    tpu.vector_store %arg3[%swap3A_416, %swap3A_417, %swap3A_418, %swap3A_419], %swap3A_422 {strides = array<i32>} : memref<1x10x100x51xf32, #tpu.memory_space<vmem>>, vector<1x1x100x51xf32>,
    %mul3A_423 = arith.constant 10 : i32
    %mul3A_424 = arith.muli %arg0, %mul3A_423 : i32
    %add3A_425 = arith.constant 9 : i32
    %add3A_426 = arith.addi %mul3A_424, %add3A_425 : i32
    %get3A_427 = arith.index_cast %add3A_426 : i32 to index
    %get3A_428 = memref.load %arg1[%get3A_427] : memref<3840xi32, #tpu.memory_space<smem>>
    %get3A_429 = arith.index_cast %get3A_428 : i32 to index
    %get3A_430 = arith.constant 0 : index
    %get3A_431 = vector.load %arg4[%get3A_429, %get3A_430] : memref<2148x51xf32, #tpu.memory_space<vmem>>, vector<100x51xf32>
    %eq3A_432 = arith.constant 0 : i32
    %eq3A_433 = vector.broadcast %eq3A_432 : i32 to vector<100x51xi32>
    %eq3A_434 = arith.cmpi eq, %select_n3A_27, %eq3A_433 : vector<100x51xi32>
    %slice3A_435 = vector.extract_strided_slice %get3A_431 {offsets = [0, 2], sizes = [100, 49], strides = [1, 1]} : vector<100x51xf32> to vector<100x49xf32>
    %slice3A_436 = vector.extract_strided_slice %get3A_431 {offsets = [0, 0], sizes = [100, 2], strides = [1, 1]} : vector<100x51xf32> to vector<100x2xf32>
    %concatenate3A_437 = tpu.concatenate %slice3A_435, %slice3A_436 in 1 : vector<100x49xf32>, vector<100x2xf32> -> vector<100x51xf32>
    %eq3A_438 = arith.constant 1 : i32
    %eq3A_439 = vector.broadcast %eq3A_438 : i32 to vector<100x51xi32>
    %eq3A_440 = arith.cmpi eq, %select_n3A_27, %eq3A_439 : vector<100x51xi32>
    %slice3A_441 = vector.extract_strided_slice %get3A_431 {offsets = [0, 1], sizes = [100, 50], strides = [1, 1]} : vector<100x51xf32> to vector<100x50xf32>
    %slice3A_442 = vector.extract_strided_slice %get3A_431 {offsets = [0, 0], sizes = [100, 1], strides = [1, 1]} : vector<100x51xf32> to vector<100x1xf32>
    %concatenate3A_443 = tpu.concatenate %slice3A_441, %slice3A_442 in 1 : vector<100x50xf32>, vector<100x1xf32> -> vector<100x51xf32>
    %select_n3A_444 = arith.select %eq3A_440, %concatenate3A_443, %get3A_431 : vector<100x51xi1>, vector<100x51xf32>
    %select_n3A_445 = arith.select %eq3A_434, %concatenate3A_437, %select_n3A_444 : vector<100x51xi1>, vector<100x51xf32>
    %mul3A_446 = arith.mulf %get3A_431, %select_n3A_40 : vector<100x51xf32>
    %add3A_447 = arith.addf %mul3A_446, %select_n3A_48 : vector<100x51xf32>
    %eq3A_448 = arith.constant 2 : i32
    %eq3A_449 = vector.broadcast %eq3A_448 : i32 to vector<100x51xi32>
    %eq3A_450 = arith.cmpi eq, %select_n3A_27, %eq3A_449 : vector<100x51xi32>
    %le3A_451 = arith.constant 0.00999999977 : f32
    %le3A_452 = vector.broadcast %le3A_451 : f32 to vector<100x51xf32>
    %le3A_453 = arith.cmpf ole, %select_n3A_445, %le3A_452 : vector<100x51xf32>
    %jit3A_454 = arith.constant 0.000000e+00 : f32
    %broadcast_in_dim3A_455 = vector.broadcast %jit3A_454 : f32 to vector<100x51xf32>
    %select_n3A_456 = arith.select %le3A_453, %broadcast_in_dim3A_455, %add3A_447 : vector<100x51xi1>, vector<100x51xf32>
    %select_n3A_457 = arith.select %eq3A_450, %get3A_431, %select_n3A_456 : vector<100x51xi1>, vector<100x51xf32>
    %swap3A_458 = arith.constant 0 : index
    %swap3A_459 = arith.constant 9 : index
    %swap3A_460 = arith.constant 0 : index
    %swap3A_461 = arith.constant 0 : index
    %swap3A_462 = vector.load %arg3[%swap3A_458, %swap3A_459, %swap3A_460, %swap3A_461] : memref<1x10x100x51xf32, #tpu.memory_space<vmem>>, vector<1x1x100x51xf32>
    %swap3A_463 = vector.shape_cast %swap3A_462 : vector<1x1x100x51xf32> to vector<100x51xf32>
    %swap3A_464 = vector.shape_cast %select_n3A_457 : vector<100x51xf32> to vector<1x1x100x51xf32>
    tpu.vector_store %arg3[%swap3A_458, %swap3A_459, %swap3A_460, %swap3A_461], %swap3A_464 {strides = array<i32>} : memref<1x10x100x51xf32, #tpu.memory_space<vmem>>, vector<1x1x100x51xf32>,
    return
  }
  func.func @transform_0(%arg0: i32, %arg1: memref<3840xi32, #tpu.memory_space<smem>>) -> (i32, i32, i32) {
    %c0_i32 = arith.constant 0 : i32
    %c0_i32_0 = arith.constant 0 : i32
    %c0_i32_1 = arith.constant 0 : i32
    return %arg0, %c0_i32, %c0_i32_0 : i32, i32, i32
  }
  func.func @transform_1(%arg0: i32, %arg1: memref<3840xi32, #tpu.memory_space<smem>>) -> (i32, i32, i32, i32) {
    %c0_i32 = arith.constant 0 : i32
    %c0_i32_0 = arith.constant 0 : i32
    %c0_i32_1 = arith.constant 0 : i32
    %c0_i32_2 = arith.constant 0 : i32
    return %arg0, %c0_i32, %c0_i32_0, %c0_i32_1 : i32, i32, i32, i32
  }
}

</mosaic_0001>

<sc_bundles>
// kernel: kernel.5.cloned.1.call-start
scs
__scs_entry_jumppad:
0x0: {  	(pc) =	sbr.rel $0x88, $3  }
0x1: {  	(tag) =	ssettag $0x0;
	lr =	simm.s32 $0x1  }
0x2: {  	[smem:$0x3FA0] =	sst lr;
	_ =	strace $0xD0000000  }
0x3: {  	_ = 	snop  }
0x4: {  	_ = 	snop  }
0x5: {  	_ = 	snop  }
0x6: {  	_ = 	snop  }
0x7: {  	_ = 	snop  }
__scs_overlays_trampoline_lowered:
0x8: {  	[smem:$0x3FAF] =	sst s0  }
0x9: {  	[smem:$0x3FB0] =	sst s1  }
0xa: {  	[smem:$0x3FB1] =	sst s2  }
0xb: {  	[smem:$0x3FB2] =	sst s3  }
0xc: {  	[smem:$0x3FB3] =	sst s4  }
0xd: {  	[smem:$0x3FB4] =	sst s5  }
0xe: {  	[smem:$0x3FB5] =	sst s6  }
0xf: {  	[smem:$0x3FB6] =	sst s7  }
0x10: {  	[smem:$0x3FB7] =	sst s8  }
0x11: {  	[smem:$0x3FB8] =	sst s9;
	s0 =	simm.s32 @!p0 $0x0  }
0x12: {  	s1 =	sld [smem:$0x3F9E];
	s0 =	simm.s32 @p0 $0x1  }
0x13: {  	[smem:$0x3FB9] =	sst s0;
	s0 =	simm.s32 @!p1 $0x0  }
0x14: {  	s2 =	sld [smem:$0x3F9D];
	s0 =	simm.s32 @p1 $0x1  }
0x15: {  	[smem:$0x3FBA] =	sst s0;
	s0 =	simm.s32 @!p2 $0x0  }
0x16: {  	s3 =	sld [smem:$0x3FDB];
	s0 =	simm.s32 @p2 $0x1  }
0x17: {  	s4 =	simm.s32 $0x1BF5;
	[smem:$0x3FBC] =	sst s0  }
0x18: {  	s0 =	sld [smem:$0x3F9F];
	_ =	swait.ge [sflag:s4], $0x0  }
0x19: {  	s7 =	sld [smem:$0x3FA0]  }
0x1a: {  	s8 =	sadd.s32 $0xFFFFE003, lr  }
0x1b: {  	s9 =	sadd.s32 $0xFFFFFEF7, lr;
	s5 =	simm.s32 $0xFFFFFFFF;
	p2 =	slt.u32 s8, $0xFFFFF086  }
0x1c: {  	p1 =	slt.u32 s9, $0xF7A;
	s5 =	simm.s32 @!p2 $0x0  }
0x1d: {  	s5 =	simm.s32 @p1 $0x1;
	p0 =	seq.s32 s7, s2  }
0x1e: {  	s7 =	smul.u32 @!p0 $0xF7A, s2;
	p2 =	seq.s32 @!p0 s5, $0x0  }
0x1f: {  	s9 =	smul.u32 $0xF7A, s1;
	s8 =	simm.s32 @!p0 $0x1BF5;
	p2 =	por !p2, p0  }
0x20: {  	[sflag:s8] =	ssyncset.s32 @!p0 $0xFFFFF086;
	s6 =	sadd.s32 @!p0 s3, s7;
	s7 =	simm.s32 @!p0 $0x108  }
0x21: {  	s3 =	sadd.s32 s3, s9;
	s6 =	sadd.s32 @!p0 $0x88, s6;
	s7 =	simm.s32 @p2 $0x1082  }
0x22: {  	[simem:s7], [sflag:s8] =	dma.local @!p0 [hbm:s6], $0xF7A  }
0x23: {  	s9 =	sor.u32 $0xD0000000, s2;
	s6 =	simm.s32 $0x108;
	_ =	swait.ge @!p0 [sflag:s8], $0x0  }
0x24: {  	s3 =	sadd.s32 $0x88, s3;
	s6 =	simm.s32 @!p1 $0x1082;
	[sflag:s4] =	ssyncset.s32 $0xFFFFF086  }
0x25: {  	[simem:s6], [sflag:s4] =	dma.local [hbm:s3], $0xF7A  }
0x26: {  	[smem:$0x3FA0] =	sst s1;
	(tag) =	ssettag s2;
	_ =	strace s9  }
0x27: {  	s1 =	sld [smem:$0x3FB0]  }
0x28: {  	s2 =	sld [smem:$0x3FB1]  }
0x29: {  	s4 =	sld [smem:$0x3FB3]  }
0x2a: {  	p0 =	seq.s32 s5, $0x0;
	s5 =	sld [smem:$0x3FB4]  }
0x2b: {  	s6 =	sld [smem:$0x3FB5]  }
0x2c: {  	s7 =	sld [smem:$0x3FB6]  }
0x2d: {  	s3 =	simm.s32 $0x108;
	s8 =	sld [smem:$0x3FB7]  }
0x2e: {  	s3 =	simm.s32 @!p0 $0x1082;
	s9 =	sld [smem:$0x3FB8]  }
0x2f: {  	lr =	sadd.s32 s0, s3;
	s0 =	sld [smem:$0x3FAF]  }
0x30: {  	s3 =	sld [smem:$0x3FB2]  }
0x31: {  	[smem:$0x3FBB] =	sst s10  }
0x32: {  	s10 =	sld [smem:$0x3FB9];
	_ =	sdelay $0x3  }
0x33: {  	p0 =	seq.s32 s10, $0x1;
	s10 =	sld [smem:$0x3FBB];
	_ =	sdelay $0x3  }
0x34: {  	[smem:$0x3FBB] =	sst s10  }
0x35: {  	s10 =	sld [smem:$0x3FBA];
	_ =	sdelay $0x3  }
0x36: {  	p1 =	seq.s32 s10, $0x1;
	s10 =	sld [smem:$0x3FBB];
	_ =	sdelay $0x3  }
0x37: {  	[smem:$0x3FBB] =	sst s10  }
0x38: {  	s10 =	sld [smem:$0x3FBC]  }
0x39: {  	_ = 	snop;
	(pc) =	sbr.ind lr, $3  }
0x3a: {  	_ = 	snop  }
0x3b: {  	_ = 	snop  }
0x3c: {  	p2 =	seq.s32 s10, $0x1;
	s10 =	sld [smem:$0x3FBB]  }
0x3d: {  	_ =	shalt  }
0x3e: {  	_ =	shalt  }
0x3f: {  	_ =	shalt  }
0x40: {  	_ =	shalt  }
0x41: {  	_ =	shalt  }
0x42: {  	_ =	shalt  }
0x43: {  	_ =	shalt  }
0x44: {  	_ =	shalt  }
0x45: {  	_ =	shalt  }
0x46: {  	_ =	shalt  }
0x47: {  	_ =	shalt  }
0x48: {  	_ =	shalt  }
0x49: {  	_ =	shalt  }
0x4a: {  	_ =	shalt  }
0x4b: {  	_ =	shalt  }
0x4c: {  	_ =	shalt  }
0x4d: {  	_ =	shalt  }
0x4e: {  	_ =	shalt  }
0x4f: {  	_ =	shalt  }
0x50: {  	_ =	shalt  }
0x51: {  	_ =	shalt  }
0x52: {  	_ =	shalt  }
0x53: {  	_ =	shalt  }
0x54: {  	_ =	shalt  }
0x55: {  	_ =	shalt  }
0x56: {  	_ =	shalt  }
0x57: {  	_ =	shalt  }
0x58: {  	_ =	shalt  }
0x59: {  	_ =	shalt  }
0x5a: {  	_ =	shalt  }
0x5b: {  	_ =	shalt  }
0x5c: {  	_ =	shalt  }
0x5d: {  	_ =	shalt  }
0x5e: {  	_ =	shalt  }
0x5f: {  	_ =	shalt  }
0x60: {  	_ =	shalt  }
0x61: {  	_ =	shalt  }
0x62: {  	_ =	shalt  }
0x63: {  	_ =	shalt  }
0x64: {  	_ =	shalt  }
0x65: {  	_ =	shalt  }
0x66: {  	_ =	shalt  }
0x67: {  	_ =	shalt  }
0x68: {  	_ =	shalt  }
0x69: {  	_ =	shalt  }
0x6a: {  	_ =	shalt  }
0x6b: {  	_ =	shalt  }
0x6c: {  	_ =	shalt  }
0x6d: {  	_ =	shalt  }
0x6e: {  	_ =	shalt  }
0x6f: {  	_ =	shalt  }
0x70: {  	_ =	shalt  }
0x71: {  	_ =	shalt  }
0x72: {  	_ =	shalt  }
0x73: {  	_ =	shalt  }
0x74: {  	_ =	shalt  }
0x75: {  	_ =	shalt  }
0x76: {  	_ =	shalt  }
0x77: {  	_ =	shalt  }
0x78: {  	_ =	shalt  }
0x79: {  	_ =	shalt  }
0x7a: {  	_ =	shalt  }
0x7b: {  	_ =	shalt  }
0x7c: {  	_ =	shalt  }
0x7d: {  	_ =	shalt  }
0x7e: {  	_ =	shalt  }
0x7f: {  	_ =	shalt  }
0x80: {  	_ =	shalt  }
0x81: {  	_ =	shalt  }
0x82: {  	_ =	shalt  }
0x83: {  	_ =	shalt  }
0x84: {  	_ =	shalt  }
0x85: {  	_ =	shalt  }
0x86: {  	_ =	shalt  }
0x87: {  	_ =	shalt  }
.Lfunc_end0:
.L_simem_size_0:
called_computation.2_lowered:
.L_overlay_start_0:
0x88: {  	s2 =	sld [smem:$0x3FD9]  }
0x89: {  	s3 =	sld [smem:$0x3FFE];
	_ =	sdelay $0x1  }
0x8a: {  	s1 =	srdreg.scid  }
0x8b: {  	s0 =	sand.u32 $0x1, s1  }
0x8c: {  	s16 =	sshll.u32 s0, $0xA;
	s2 =	sadd.s32 s3, s2  }
0x8d: {  	s2 =	sadd.s32 s2, s16  }
0x8e: {  	[smem:$0x3FC7] =	sst s2  }
0x8f: {  	_ = 	snop  }
0x90: {  	(tm) =	ssettm $0x1  }
0x91: {  	s17 =	sld [smem:$0x3FFB];
	_ =	sdelay $0x3  }
0x92: {  	_ =	strace s17  }
0x93: {  	s2 =	sld [smem:$0x3FFC];
	_ =	sdelay $0x3  }
0x94: {  	_ =	strace s2  }
0x95: {  	s2 =	sld [smem:$0x3FFD];
	_ =	sdelay $0x3  }
0x96: {  	_ =	strace s2  }
0x97: {  	_ =	strace $0x8FFFFFFF  }
0x98: {  	s18 =	sld [smem:$0x3FDB];
	_ =	sdelay $0x1  }
0x99: {  	s19 =	simm.s32 $_scs_section_size  }
0x9a: {  	s4 =	simm.s32 $_size__tile_overlayer_lowered;
	s5 =	simm.s32 $_tile_overlayer_lowered  }
0x9b: {  	s22 =	simm.s32 $0x1BFF;
	s21 =	sshll.u32 s5, $0x1;
	s2 =	sadd.s32 s19, s18  }
0x9c: {  	s6 =	simm.s32 $0x0;
	s20 =	sshll.u32 s4, $0x1;
	s4 =	sadd.s32 s21, s2  }
0x9d: {  	[timem:s6], [sflag:s22] =	dma.local [hbm:s4], s20  }
0x9e: {  	_ =	swait.ge [sflag:s22], s20  }
0x9f: {  	s3 =	ssub.s32 $0x0, s20;
	[sflag:s22] =	ssyncset.done $0x0  }
0xa0: {  	[sflag:s22] =	ssyncadd.s32 s3;
	_ =	sdelay $0x1  }
0xa1: {  	s23 =	simm.s32 $0x1B8B  }
0xa2: {  	_ =	swait.ge [sflag:s23], $0x1  }
0xa3: {  	[sflag:s23] =	ssyncset.done $0x0  }
0xa4: {  	s25 =	simm.s32 $0x1B8E;
	s24 =	sld [smem:$0x3FFE];
	[sflag:s23] =	ssyncadd.s32 $0xFFFFFFFF  }
0xa5: {  	s26 =	simm.s32 $execute0_lowered;
	[smem:$0x3FD2] =	sst s25  }
0xa6: {  	s4 =	sshll.u32 s26, $0x1;
	_ =	strace $0x80000049;
	[dreg:$0x1] =	wrdreg $0xFFFFFFFF  }
0xa7: {  	s28 =	simm.s32 $_size_execute0_lowered;
	s2 =	sadd.s32 s2, s4;
	[dreg:$0x0] =	wrdreg $0x0  }
0xa8: {  	s4 =	sshll.u32 s28, $0x1;
	[dreg:$0x2] =	wrdreg s2  }
0xa9: {  	[dreg:$0x3] =	wrdreg s4  }
0xaa: {  	[dreg:$0x4] =	wrdreg $0xC0  }
0xab: {  	_ =	task [dreg:s6], $0x5FFFF  }
0xac: {  	[dreg:$0x1] =	wrdreg $0xFFFFFFFF  }
0xad: {  	[dreg:$0x0] =	wrdreg $0x60  }
0xae: {  	[dreg:$0x2] =	wrdreg s24  }
0xaf: {  	[dreg:$0x3] =	wrdreg $0x9  }
0xb0: {  	_ =	task.clear_ibuf [dreg:s6], $0x4FFFF;
	_ =	strace $0x90000049  }
0xb1: {  	s29 =	simm.s32 $0x9;
	_ =	strace $0x8000004B  }
0xb2: {  	_ =	swait.ge [sflag:s29], $0x1  }
0xb3: {  	[sflag:s29] =	ssyncadd.s32 $0xFFFFFFFF  }
0xb4: {  	_ =	strace $0x9000004B  }
0xb5: {  	_ =	sfence  }
0xb6: {  	s30 =	sld [smem:$0x0];
	_ =	sdelay $0x2  }
0xb7: {  	s31 =	sshll.u32 s1, $0xD;
	s1 =	sshrl.u32 s1, $0x2  }
0xb8: {  	s3 =	sand.u32 $0x4000, s31;
	s1 =	sadd.s32 s1, s30  }
0xb9: {  	s0 =	sor.u32 s3, s0;
	s1 =	sshll.u32 s1, $0x11  }
0xba: {  	s0 =	sor.u32 s1, s0  }
0xbb: {  	s0 =	sadd.s32 $0x8F2B, s0  }
0xbc: {  	[sflag:s0] =	ssyncadd.remote.s32 $0x1  }
0xbd: {  	_ =	sfence.sel $0xFFFF  }
0xbe: {  	[dreg:$0x0] =	wrdreg $0xFFFFFFFF;
	(pc) =	sbr.abs _section_cstart, $3  }
0xbf: {  	[dreg:$0x1] =	wrdreg $0xFFFFFFFF  }
0xc0: {  	_ =	task.clear_ibuf [dreg:s6], $0x2FFFF;
	_ =	strace $0x9FFFFFFF  }
0xc1: {  	(tm) =	ssettm $0x7FFFFFFF  }
tec
execute0_lowered:
.L_overlay_start_1:
0x0: {  	(tag) =	ssettag $0x1  }
0x1: {  	s1 =	srdreg.scid  }
0x2: {  	s0 =	stileid.u32;
	s4 =	rddreg [dreg:$0x0];
	s2 =	simm.s32 $0x0  }
0x3: {  	s9 =	simm.s32 $0x29;
	s10 =	simm.s32 $0x1400;
	s11 =	simm.s32 $0x2C00  }
0x4: {  	s12 =	simm.s32 $0x1;
	s13 =	simm.s32 $0x4400;
	s14 =	simm.s32 $0x2  }
0x5: {  	s15 =	simm.s32 $0x5800;
	s16 =	simm.s32 $0x3;
	s17 =	simm.s32 $0x4  }
0x6: {  	s18 =	simm.s32 $0x0;
	s5 =	sand.u32 $0x1, s1;
	s3 =	sshll.u32 s0, $0x1  }
0x7: {  	s1 =	rddreg [dreg:$0x1];
	s6 =	sor.u32 s5, s3;
	s5 =	ssub.s32 $0x2, s5  }
0x8: {  	[smem:$0x7FF] =	sst s2;
	s7 =	smul.u32 $0x280, s6;
	s8 =	sshrl.u32 s5, $0x1  }
0x9: {  	_ =	strace $0x8000004A;
	s3 =	sadd.s32 $0x1000, s4;
	s8 =	ssub.s32 s5, s8  }
0xa: {  	s5 =	smul.u32 $0x28, s6;
	s7 =	sadd.s32 s7, s4;
	s4 =	sadd.s32 $0x19E000, s4  }
0xb: {  	v0 =	vlaneseq.u32;
	s6 =	sadd.s32 $0x199000, s7;
	s7 =	smax.u32 s8, $0x1;
	s8 =	simm.s32 $0x5  }
.LBB2_1:
0xc: {  	[tilespmem:s2], [sflag:$0x5] =	stream.linear.gather [hbm4b:s6+s2], $0x1400, $0x38;
	[tilespmem:$0x6C00] =	vst v63  }
0xd: {  	_ =	swait.ge [sflag:s8], $0x1400  }
0xe: {  	[sflag:s8] =	ssyncset.done $0x0  }
0xf: {  	s19 =	simm.s32 $0x0;
	[sflag:s8] =	ssyncadd.s32 $0xFFFFEC00  }
.LBB2_2:
0x10: {  	s21 =	sshll.u32 s19, $0x8;
	s20 =	sshllo.u32 s19, $0x1  }
0x11: {  	s22 =	sand.u32 $0x3FFFFF00, s21;
	s23 =	sshll.u32 s20, $0x7  }
0x12: {  	[tilespmem:s10], [sflag:$0x1] =	stream.indirect.gather [hbm4b:s3+s9], $0x80, s22, s9, $0xb8;
	[tilespmem:$0x6C00] =	vst v63  }
0x13: {  	s21 =	sand.u32 $0x3FFFFF80, s23  }
0x14: {  	[tilespmem:s11], [sflag:$0x2] =	stream.indirect.gather [hbm4b:s3+s9], $0x80, s21, s9, $0xb8;
	[tilespmem:$0x6C00] =	vst v63  }
0x15: {  	_ =	swait.ge [sflag:s12], $0x1480  }
0x16: {  	[sflag:s12] =	ssyncset.done $0x0  }
0x17: {  	[sflag:s12] =	ssyncadd.s32 $0xFFFFEB80  }
0x18: {  	v1 =	vld [tilespmem:s22+$0x40];
	_ =	sdelay $0x4  }
0x19: {  	s24 =	simm.s32 $0x0;
	v1 =	vadd.s32 v0, v1  }
0x1a: {  	p0 =	seq.s32 s19, $0x0;
	v2 =	vadd.s32 s24, v1  }
0x1b: {  	s22 =	simm.s32 @!p0 $0x3  }
0x1c: {  	_ =	swait.ge @!p0 [sflag:s22], $0x1400  }
0x1d: {  	[sflag:s22] =	ssyncset.done @!p0 $0x0  }
0x1e: {  	[sflag:s22] =	ssyncadd.s32 @!p0 $0xFFFFEC00  }
0x1f: {  	s25 =	simm.s32 $0x10;
	v2 =	vld.idx.msk [tilespmem:v2+s10+$0x0], $0xffff  }
0x20: {  	v3 =	vadd.s32 s25, v1;
	_ =	sdelay $0x2  }
0x21: {  	s22 =	simm.s32 $0x4440  }
0x22: {  	[tilespmem:s22+$0xFFFFFFC0] =	vst v2  }
0x23: {  	s23 =	simm.s32 $0x20;
	v2 =	vld.idx.msk [tilespmem:v3+s10+$0x0], $0xffff  }
0x24: {  	v3 =	vadd.s32 s23, v1;
	_ =	sdelay $0x3  }
0x25: {  	[tilespmem:s22+$0xFFFFFFD0] =	vst v2  }
0x26: {  	s26 =	simm.s32 $0x30;
	v2 =	vld.idx.msk [tilespmem:v3+s10+$0x0], $0xffff  }
0x27: {  	v3 =	vadd.s32 s26, v1;
	_ =	sdelay $0x3  }
0x28: {  	[tilespmem:s22+$0xFFFFFFE0] =	vst v2  }
0x29: {  	s28 =	simm.s32 $0x40;
	v2 =	vld.idx.msk [tilespmem:v3+s10+$0x0], $0xffff  }
0x2a: {  	v3 =	vadd.s32 s28, v1;
	_ =	sdelay $0x3  }
0x2b: {  	[tilespmem:s22+$0xFFFFFFF0] =	vst v2  }
0x2c: {  	s29 =	simm.s32 $0x50;
	v2 =	vld.idx.msk [tilespmem:v3+s10+$0x0], $0xffff  }
0x2d: {  	v3 =	vadd.s32 s29, v1;
	_ =	sdelay $0x3  }
0x2e: {  	[tilespmem:s22+$0x0] =	vst v2  }
0x2f: {  	s30 =	simm.s32 $0x60;
	v2 =	vld.idx.msk [tilespmem:v3+s10+$0x0], $0xffff  }
0x30: {  	v3 =	vadd.s32 s30, v1;
	_ =	sdelay $0x3  }
0x31: {  	[tilespmem:s22+$0x10] =	vst v2  }
0x32: {  	s31 =	simm.s32 $0x70;
	v2 =	vld.idx.msk [tilespmem:v3+s10+$0x0], $0xffff  }
0x33: {  	v3 =	vadd.s32 s31, v1;
	_ =	sdelay $0x3  }
0x34: {  	[tilespmem:s22+$0x20] =	vst v2  }
0x35: {  	s24 =	simm.s32 $0x0;
	s25 =	simm.s32 $0x80;
	s23 =	sshll.u32 s19, $0x1;
	v2 =	vld.idx.msk [tilespmem:v3+s10+$0x0], $0xffff  }
.LBB2_3:
0x36: {  	v3 =	vadd.s32 s25, v1;
	s24 =	sadd.s32 $0x8, s24  }
0x37: {  	p1 =	slt.u32 s24, $0x138;
	_ =	sdelay $0x2  }
0x38: {  	[tilespmem:s22+$0x30] =	vst v2  }
0x39: {  	v2 =	vld.idx.msk [tilespmem:v3+s10+$0x0], $0xffff  }
0x3a: {  	s26 =	sadd.s32 $0x10, s25  }
0x3b: {  	v3 =	vadd.s32 s26, v1;
	_ =	sdelay $0x2  }
0x3c: {  	s22 =	sadd.s32 $0x80, s22  }
0x3d: {  	[tilespmem:s22+$0xFFFFFFC0] =	vst v2  }
0x3e: {  	v2 =	vld.idx.msk [tilespmem:v3+s10+$0x0], $0xffff  }
0x3f: {  	s26 =	sadd.s32 $0x20, s25  }
0x40: {  	v3 =	vadd.s32 s26, v1;
	_ =	sdelay $0x3  }
0x41: {  	[tilespmem:s22+$0xFFFFFFD0] =	vst v2  }
0x42: {  	v2 =	vld.idx.msk [tilespmem:v3+s10+$0x0], $0xffff  }
0x43: {  	s26 =	sadd.s32 $0x30, s25  }
0x44: {  	v3 =	vadd.s32 s26, v1;
	_ =	sdelay $0x3  }
0x45: {  	[tilespmem:s22+$0xFFFFFFE0] =	vst v2  }
0x46: {  	v2 =	vld.idx.msk [tilespmem:v3+s10+$0x0], $0xffff  }
0x47: {  	s26 =	sadd.s32 $0x40, s25  }
0x48: {  	v3 =	vadd.s32 s26, v1;
	_ =	sdelay $0x3  }
0x49: {  	[tilespmem:s22+$0xFFFFFFF0] =	vst v2  }
0x4a: {  	v2 =	vld.idx.msk [tilespmem:v3+s10+$0x0], $0xffff  }
0x4b: {  	s26 =	sadd.s32 $0x50, s25  }
0x4c: {  	v3 =	vadd.s32 s26, v1;
	_ =	sdelay $0x3  }
0x4d: {  	[tilespmem:s22+$0x0] =	vst v2  }
0x4e: {  	v2 =	vld.idx.msk [tilespmem:v3+s10+$0x0], $0xffff  }
0x4f: {  	s26 =	sadd.s32 $0x60, s25  }
0x50: {  	v3 =	vadd.s32 s26, v1;
	_ =	sdelay $0x3  }
0x51: {  	[tilespmem:s22+$0x10] =	vst v2  }
0x52: {  	v2 =	vld.idx.msk [tilespmem:v3+s10+$0x0], $0xffff  }
0x53: {  	s26 =	sadd.s32 $0x70, s25  }
0x54: {  	v3 =	vadd.s32 s26, v1;
	_ =	sdelay $0x1  }
.Ltmp0:
0x55: {  	(pc) =	sbr.rel @p1 .LBB2_3-.Ltmp0, $4  }
0x56: {  	_ = 	snop  }
0x57: {  	[tilespmem:s22+$0x20] =	vst v2  }
0x58: {  	v2 =	vld.idx.msk [tilespmem:v3+s10+$0x0], $0xffff  }
0x59: {  	s25 =	sadd.s32 $0x80, s25  }
0x5a: {  	s23 =	sadd.s32 s5, s23  }
0x5b: {  	s23 =	smul.u32 $0x280, s23;
	_ =	sdelay $0x1  }
0x5c: {  	[tilespmem:s22+$0x30] =	vst v2;
	s31 =	sadd.s32 s4, s23  }
0x5d: {  	[hbm4b:s31+s2] =	stream.linear.scatter [tilespmem:s13], [sflag:$0x3], $0x1400, $0x38;
	[tilespmem:$0x6C00] =	vst v63  }
0x5e: {  	_ =	swait.ge [sflag:s14], $0x1480  }
0x5f: {  	[sflag:s14] =	ssyncset.done $0x0  }
0x60: {  	[sflag:s14] =	ssyncadd.s32 $0xFFFFEB80  }
0x61: {  	v1 =	vld [tilespmem:s21+$0x40];
	_ =	sdelay $0x4  }
0x62: {  	s23 =	simm.s32 $0x0;
	v1 =	vadd.s32 v0, v1  }
0x63: {  	v2 =	vadd.s32 s23, v1  }
0x64: {  	s21 =	simm.s32 @!p0 $0x4  }
0x65: {  	_ =	swait.ge @!p0 [sflag:s21], $0x1400  }
0x66: {  	[sflag:s21] =	ssyncset.done @!p0 $0x0  }
0x67: {  	[sflag:s21] =	ssyncadd.s32 @!p0 $0xFFFFEC00  }
0x68: {  	s24 =	simm.s32 $0x10;
	v2 =	vld.idx.msk [tilespmem:v2+s11+$0x0], $0xffff  }
0x69: {  	v3 =	vadd.s32 s24, v1;
	_ =	sdelay $0x2  }
0x6a: {  	s21 =	simm.s32 $0x5840  }
0x6b: {  	[tilespmem:s21+$0xFFFFFFC0] =	vst v2  }
0x6c: {  	s25 =	simm.s32 $0x20;
	v2 =	vld.idx.msk [tilespmem:v3+s11+$0x0], $0xffff  }
0x6d: {  	v3 =	vadd.s32 s25, v1;
	_ =	sdelay $0x3  }
0x6e: {  	[tilespmem:s21+$0xFFFFFFD0] =	vst v2  }
0x6f: {  	s26 =	simm.s32 $0x30;
	v2 =	vld.idx.msk [tilespmem:v3+s11+$0x0], $0xffff  }
0x70: {  	v3 =	vadd.s32 s26, v1;
	_ =	sdelay $0x3  }
0x71: {  	[tilespmem:s21+$0xFFFFFFE0] =	vst v2  }
0x72: {  	s28 =	simm.s32 $0x40;
	v2 =	vld.idx.msk [tilespmem:v3+s11+$0x0], $0xffff  }
0x73: {  	v3 =	vadd.s32 s28, v1;
	_ =	sdelay $0x3  }
0x74: {  	[tilespmem:s21+$0xFFFFFFF0] =	vst v2  }
0x75: {  	s29 =	simm.s32 $0x50;
	v2 =	vld.idx.msk [tilespmem:v3+s11+$0x0], $0xffff  }
0x76: {  	v3 =	vadd.s32 s29, v1;
	_ =	sdelay $0x3  }
0x77: {  	[tilespmem:s21+$0x0] =	vst v2  }
0x78: {  	s30 =	simm.s32 $0x60;
	v2 =	vld.idx.msk [tilespmem:v3+s11+$0x0], $0xffff  }
0x79: {  	v3 =	vadd.s32 s30, v1;
	_ =	sdelay $0x3  }
0x7a: {  	[tilespmem:s21+$0x10] =	vst v2  }
0x7b: {  	s31 =	simm.s32 $0x70;
	v2 =	vld.idx.msk [tilespmem:v3+s11+$0x0], $0xffff  }
0x7c: {  	v3 =	vadd.s32 s31, v1;
	_ =	sdelay $0x3  }
0x7d: {  	[tilespmem:s21+$0x20] =	vst v2  }
0x7e: {  	s22 =	simm.s32 $0x0;
	s23 =	simm.s32 $0x80;
	v2 =	vld.idx.msk [tilespmem:v3+s11+$0x0], $0xffff  }
.LBB2_5:
0x7f: {  	v3 =	vadd.s32 s23, v1;
	s22 =	sadd.s32 $0x8, s22  }
0x80: {  	p0 =	slt.u32 s22, $0x138;
	_ =	sdelay $0x2  }
0x81: {  	[tilespmem:s21+$0x30] =	vst v2  }
0x82: {  	v2 =	vld.idx.msk [tilespmem:v3+s11+$0x0], $0xffff  }
0x83: {  	s24 =	sadd.s32 $0x10, s23  }
0x84: {  	v3 =	vadd.s32 s24, v1;
	_ =	sdelay $0x2  }
0x85: {  	s21 =	sadd.s32 $0x80, s21  }
0x86: {  	[tilespmem:s21+$0xFFFFFFC0] =	vst v2  }
0x87: {  	v2 =	vld.idx.msk [tilespmem:v3+s11+$0x0], $0xffff  }
0x88: {  	s24 =	sadd.s32 $0x20, s23  }
0x89: {  	v3 =	vadd.s32 s24, v1;
	_ =	sdelay $0x3  }
0x8a: {  	[tilespmem:s21+$0xFFFFFFD0] =	vst v2  }
0x8b: {  	v2 =	vld.idx.msk [tilespmem:v3+s11+$0x0], $0xffff  }
0x8c: {  	s24 =	sadd.s32 $0x30, s23  }
0x8d: {  	v3 =	vadd.s32 s24, v1;
	_ =	sdelay $0x3  }
0x8e: {  	[tilespmem:s21+$0xFFFFFFE0] =	vst v2  }
0x8f: {  	v2 =	vld.idx.msk [tilespmem:v3+s11+$0x0], $0xffff  }
0x90: {  	s24 =	sadd.s32 $0x40, s23  }
0x91: {  	v3 =	vadd.s32 s24, v1;
	_ =	sdelay $0x3  }
0x92: {  	[tilespmem:s21+$0xFFFFFFF0] =	vst v2  }
0x93: {  	v2 =	vld.idx.msk [tilespmem:v3+s11+$0x0], $0xffff  }
0x94: {  	s24 =	sadd.s32 $0x50, s23  }
0x95: {  	v3 =	vadd.s32 s24, v1;
	_ =	sdelay $0x3  }
0x96: {  	[tilespmem:s21+$0x0] =	vst v2  }
0x97: {  	v2 =	vld.idx.msk [tilespmem:v3+s11+$0x0], $0xffff  }
0x98: {  	s24 =	sadd.s32 $0x60, s23  }
0x99: {  	v3 =	vadd.s32 s24, v1;
	_ =	sdelay $0x3  }
0x9a: {  	[tilespmem:s21+$0x10] =	vst v2  }
0x9b: {  	v2 =	vld.idx.msk [tilespmem:v3+s11+$0x0], $0xffff  }
0x9c: {  	s24 =	sadd.s32 $0x70, s23  }
0x9d: {  	v3 =	vadd.s32 s24, v1;
	_ =	sdelay $0x1  }
.Ltmp1:
0x9e: {  	(pc) =	sbr.rel @p0 .LBB2_5-.Ltmp1, $4  }
0x9f: {  	_ = 	snop  }
0xa0: {  	[tilespmem:s21+$0x20] =	vst v2  }
0xa1: {  	v2 =	vld.idx.msk [tilespmem:v3+s11+$0x0], $0xffff  }
0xa2: {  	s23 =	sadd.s32 $0x80, s23  }
0xa3: {  	s19 =	sadd.s32 $0x1, s19  }
0xa4: {  	p0 =	sne.s32 s19, $0x14  }
.Ltmp2:
0xa5: {  	s20 =	sadd.s32 s5, s20;
	(pc) =	sbr.rel @p0 .LBB2_2-.Ltmp2, $3  }
0xa6: {  	s20 =	smul.u32 $0x280, s20;
	_ =	sdelay $0x1  }
0xa7: {  	[tilespmem:s21+$0x30] =	vst v2;
	s20 =	sadd.s32 s4, s20  }
0xa8: {  	[hbm4b:s20+s2] =	stream.linear.scatter [tilespmem:s15], [sflag:$0x4], $0x1400, $0x38;
	[tilespmem:$0x6C00] =	vst v63  }
0xa9: {  	s18 =	sadd.s32 $0x1, s18  }
0xaa: {  	_ =	swait.ge [sflag:s16], $0x1400;
	p0 =	sne.s32 s18, s7  }
.Ltmp3:
0xab: {  	[sflag:s16] =	ssyncset.done $0x0;
	(pc) =	sbr.rel @p0 .LBB2_1-.Ltmp3, $4  }
0xac: {  	[sflag:s16] =	ssyncadd.s32 $0xFFFFEC00  }
0xad: {  	_ =	swait.ge [sflag:s17], $0x1400  }
0xae: {  	[sflag:s17] =	ssyncset.done $0x0  }
0xaf: {  	[sflag:s17] =	ssyncadd.s32 $0xFFFFEC00  }
0xb0: {  	_ =	sfence.sel $0x180000  }
0xb1: {  	[bflag:$0x0] =	sbarrier.arrive $0xFFFF  }
0xb2: {  	p0 =	sne.s32 s0, $0x0;
	_ =	strace $0x9000004A  }
0xb3: {  	s0 =	sadd.s32 @!p0 $0x100000, s1;
	[bflag:$0x2] =	sbarrier.arrive $0xFFFF  }
0xb4: {  	[sflag:s0] =	ssyncadd.tile.s32 @!p0 $0x1;
	_ =	shalt  }
.Lfunc_end2:
_tile_overlayer_lowered:
.L_overlay_start_2:
0xb5: {  	(tag) =	ssettag $0x2  }
0xb6: {  	s0 =	rddreg [dreg:$0x0];
	s2 =	stileid.u32  }
0xb7: {  	s1 =	rddreg [dreg:$0x1];
	p0 =	sne.s32 s2, $0x0  }
0xb8: {  	s3 =	rddreg [dreg:$0x2];
	[bflag:$0x3] =	sbarrier.arrive $0xFFFF;
	s2 =	simm.s32 @!p0 $0x1C05  }
0xb9: {  	[timem:s3], [sflag:s2] =	dma.local @!p0 [hbm:s0], s1  }
0xba: {  	s0 =	simm.s32 @!p0 $0x5  }
0xbb: {  	_ =	swait.ge @!p0 [sflag:s0], s1  }
0xbc: {  	s1 =	ssub.s32 @!p0 $0x0, s1;
	[sflag:s0] =	ssyncset.done @!p0 $0x0  }
0xbd: {  	[sflag:s0] =	ssyncadd.s32 @!p0 s1  }
0xbe: {  	[bflag:$0x3] =	sbarrier.arrive $0xFFFF  }
0xbf: {  	_ =	shalt  }

// kernel: sparse-core-data-format-call.1.cloned.1.call-start
scs
called_computation.1_lowered:
.L_overlay_start_0:
0x0: {  	s2 =	sld [smem:$0x3FD9]  }
0x1: {  	s3 =	sld [smem:$0x3FFE];
	_ =	sdelay $0x1  }
0x2: {  	s1 =	srdreg.scid  }
0x3: {  	s0 =	sand.u32 $0x1, s1  }
0x4: {  	s18 =	sshll.u32 s0, $0xA;
	s2 =	sadd.s32 s3, s2  }
0x5: {  	s2 =	sadd.s32 s2, s18  }
0x6: {  	[smem:$0x3FC7] =	sst s2  }
0x7: {  	_ = 	snop  }
0x8: {  	s2 =	sld [smem:$0x3FD0];
	(tm) =	ssettm $0x1  }
0x9: {  	s19 =	sld [smem:$0x3FFB];
	_ =	sdelay $0x3  }
0xa: {  	_ =	strace s19  }
0xb: {  	s3 =	sld [smem:$0x3FFC];
	_ =	sdelay $0x3  }
0xc: {  	_ =	strace s3  }
0xd: {  	s3 =	sld [smem:$0x3FFD];
	_ =	sdelay $0x3  }
0xe: {  	_ =	strace s3  }
0xf: {  	_ =	strace $0x8FFFFFFF  }
0x10: {  	s20 =	sld [smem:$0x3FDB];
	_ =	sdelay $0x1  }
0x11: {  	s4 =	simm.s32 $_scs_section_size  }
0x12: {  	s5 =	simm.s32 $_size__tile_overlayer_lowered;
	s6 =	simm.s32 $_tile_overlayer_lowered  }
0x13: {  	s23 =	simm.s32 $0x1BFF;
	s22 =	sshll.u32 s6, $0x1;
	s3 =	sadd.s32 s4, s20  }
0x14: {  	s7 =	simm.s32 $0x0;
	s21 =	sshll.u32 s5, $0x1;
	s5 =	sadd.s32 s22, s3  }
0x15: {  	[timem:s7], [sflag:s23] =	dma.local [hbm:s5], s21  }
0x16: {  	_ =	swait.ge [sflag:s23], s21  }
0x17: {  	s4 =	ssub.s32 $0x0, s21;
	[sflag:s23] =	ssyncset.done $0x0  }
0x18: {  	[sflag:s23] =	ssyncadd.s32 s4;
	_ =	sdelay $0x1  }
0x19: {  	s24 =	simm.s32 $0x1B8B  }
0x1a: {  	_ =	swait.ge [sflag:s24], $0x1  }
0x1b: {  	[sflag:s24] =	ssyncset.done $0x0  }
0x1c: {  	s26 =	simm.s32 $0x1B8E;
	s25 =	sld [smem:$0x3FFE];
	[sflag:s24] =	ssyncadd.s32 $0xFFFFFFFF  }
0x1d: {  	s27 =	simm.s32 $execute0_lowered;
	[smem:$0x3FD2] =	sst s26  }
0x1e: {  	s5 =	sshll.u32 s27, $0x1;
	_ =	strace $0x80000046;
	[dreg:$0x1] =	wrdreg $0xFFFFFFFF  }
0x1f: {  	s28 =	simm.s32 $_size_execute0_lowered;
	s3 =	sadd.s32 s3, s5;
	[dreg:$0x0] =	wrdreg $0x0  }
0x20: {  	s5 =	sshll.u32 s28, $0x1;
	[dreg:$0x2] =	wrdreg s3  }
0x21: {  	[dreg:$0x3] =	wrdreg s5  }
0x22: {  	[dreg:$0x4] =	wrdreg $0xC0  }
0x23: {  	_ =	task [dreg:s7], $0x5FFFF  }
0x24: {  	[dreg:$0x1] =	wrdreg $0xFFFFFFFF  }
0x25: {  	[dreg:$0x0] =	wrdreg $0x60  }
0x26: {  	[dreg:$0x2] =	wrdreg s25  }
0x27: {  	[dreg:$0x3] =	wrdreg s2  }
0x28: {  	[dreg:$0x4] =	wrdreg $0x9  }
0x29: {  	_ =	task.clear_ibuf [dreg:s7], $0x5FFFF;
	_ =	strace $0x90000046  }
0x2a: {  	s29 =	simm.s32 $0x9;
	_ =	strace $0x80000048  }
0x2b: {  	_ =	swait.ge [sflag:s29], $0x1  }
0x2c: {  	[sflag:s29] =	ssyncadd.s32 $0xFFFFFFFF  }
0x2d: {  	_ =	strace $0x90000048  }
0x2e: {  	_ =	sfence  }
0x2f: {  	s30 =	sld [smem:$0x0];
	_ =	sdelay $0x2  }
0x30: {  	s31 =	sshll.u32 s1, $0xD;
	s1 =	sshrl.u32 s1, $0x2  }
0x31: {  	s3 =	sand.u32 $0x4000, s31;
	s1 =	sadd.s32 s1, s30  }
0x32: {  	s0 =	sor.u32 s3, s0;
	s1 =	sshll.u32 s1, $0x11  }
0x33: {  	s0 =	sor.u32 s1, s0  }
0x34: {  	s0 =	sadd.s32 $0x8F2B, s0  }
0x35: {  	[sflag:s0] =	ssyncadd.remote.s32 $0x1  }
0x36: {  	_ =	sfence.sel $0xFFFF  }
0x37: {  	[dreg:$0x0] =	wrdreg $0xFFFFFFFF;
	(pc) =	sbr.abs _section_cstart, $3  }
0x38: {  	[dreg:$0x1] =	wrdreg $0xFFFFFFFF  }
0x39: {  	_ =	task.clear_ibuf [dreg:s7], $0x2FFFF;
	_ =	strace $0x9FFFFFFF  }
0x3a: {  	(tm) =	ssettm $0x7FFFFFFF  }
0x3b: {  	_ =	shalt  }
tec
execute0_lowered:
.L_overlay_start_1:
0x0: {  	(tag) =	ssettag $0x1  }
0x1: {  	s0 =	stileid.u32;
	s1 =	srdreg.scid  }
0x2: {  	s2 =	sshll.u32 s0, $0x6;
	s1 =	sshll.u32 s1, $0xA  }
0x3: {  	s1 =	sor.u32 s2, s1  }
0x4: {  	s1 =	sand.u32 $0x780, s1  }
0x5: {  	s5 =	rddreg [dreg:$0x0];
	s30 =	ssub.s32 $0x800, s1  }
0x6: {  	s6 =	simm.s32 $0x1;
	s4 =	rddreg [dreg:$0x1];
	s3 =	sand.u32 $0x780, s30  }
0x7: {  	s8 =	simm.s32 $0x2;
	s15 =	simm.s32 $0x0;
	p0 =	sne.s32 s3, $0x0  }
0x8: {  	s2 =	sshrl.u32 s30, $0xB;
	s3 =	sand.u32 $0x1, s0;
	s6 =	simm.s32 @!p0 $0x0  }
0x9: {  	s9 =	simm.s32 $0x80;
	s7 =	ssub.s32 $0x2, s3;
	s6 =	sadd.s32 s6, s2  }
0xa: {  	s10 =	simm.s32 $0x2200;
	s14 =	simm.s32 $0x0;
	s6 =	smul.u32 s6, s7  }
.Ltmp0:
0xb: {  	s16 =	simm.s32 $0x0;
	s12 =	simm.s32 $0x0;
	(pc) =	sbr.rel .LBB1_1-.Ltmp0, $4  }
0xc: {  	s13 =	simm.s32 $0x0;
	s31 =	sadd.s32 s1, s5;
	s5 =	simm.s32 $0x1  }
0xd: {  	s2 =	rddreg [dreg:$0x2];
	_ =	strace $0x80000047;
	s6 =	smul.u32 $0x11, s6  }
0xe: {  	p0 =	por $0x0, $0x0;
	s11 =	smov.u32 s3;
	[sflag:s5] =	ssyncpa.u1 $0x0  }
0xf: {  	s7 =	sadd.s32 $0x1000, s31;
	[sflag:s8] =	ssyncpa.u1 $0x0;
	s8 =	sadd.s32 $0x1, s6  }
.LBB1_4:
0x10: {  	v5 =	vld [tilespmem:s20+$0xFFFFFFD0];
	[tilespmem:s19+$0x2040 ss:$0x81] =	vst.msk $0xffff, v1  }
0x11: {  	v58 =	vld [tilespmem:s20+$0xFFFFFFE0];
	[tilespmem:s19+$0x2850 ss:$0x81] =	vst.msk $0xffff, v2  }
0x12: {  	s21 =	sshra.s32 s21, $0x2;
	v59 =	vld [tilespmem:s20+$0xFFFFFFF0];
	[tilespmem:s19+$0x3060 ss:$0x81] =	vst.msk $0xffff, v3  }
0x13: {  	v60 =	vld [tilespmem:s20+$0x0];
	[tilespmem:s19+$0x0 ss:$0x81] =	vst.msk $0xffff, v0;
	s18 =	sadd.s32 s21, s18  }
0x14: {  	v61 =	vld [tilespmem:s20+$0x10];
	[tilespmem:s18+$0x3870 ss:$0x81] =	vst.msk $0xffff, v4  }
0x15: {  	v62 =	vld [tilespmem:s20+$0x20];
	[tilespmem:s18+$0x810 ss:$0x81] =	vst.msk $0xffff, v5  }
0x16: {  	v63 =	vld [tilespmem:s20+$0xFFFFFFC0];
	[tilespmem:s18+$0x1020 ss:$0x81] =	vst.msk $0xffff, v58  }
0x17: {  	[tilespmem:s18+$0x1830 ss:$0x81] =	vst.msk $0xffff, v59  }
0x18: {  	s15 =	smul.u32 $0x440, s15;
	s16 =	sshll.u32 s16, $0x6;
	[tilespmem:s18+$0x2040 ss:$0x81] =	vst.msk $0xffff, v60  }
0x19: {  	s14 =	sshll.u32 s14, $0x4;
	s16 =	sadd.s32 s4, s16;
	[tilespmem:s18+$0x2850 ss:$0x81] =	vst.msk $0xffff, v61  }
0x1a: {  	s14 =	sand.u32 $0x30, s14;
	s15 =	sadd.s32 s15, s16;
	[tilespmem:s18+$0x3060 ss:$0x81] =	vst.msk $0xffff, v62  }
0x1b: {  	s14 =	sadd.s32 s14, s15;
	[tilespmem:s18+$0x0 ss:$0x81] =	vst.msk $0xffff, v63  }
0x1c: {  	[hbm4b:s14+s9] =	stream.strided.scatter [tilespmem:s17], [sflag:$0x2], $0x4000, s10, s9, $0x20;
	[tilespmem:$0x10100] =	vst v63  }
.LBB1_5:
0x1d: {  	s17 =	sadd.s32 $0x2, s11  }
0x1e: {  	s14 =	simm.s32 $0x1;
	p2 =	sgt.s32 s17, $0x2  }
0x1f: {  	s14 =	simm.s32 @!p2 $0x0  }
0x20: {  	s18 =	sadd.s32 s14, s12  }
0x21: {  	s17 =	smov.u32 @p2 s3;
	p2 =	sgt.s32 s18, $0x10  }
0x22: {  	p1 =	slt.u32 s13, $0x2;
	s18 =	simm.s32 @p2 $0x0;
	p2 =	sne.s32 s13, s8  }
.Ltmp1:
0x23: {  	s15 =	simm.s32 @!p1 $0x2;
	(pc) =	sbr.rel @!p2 .LBB1_6-.Ltmp1, $4  }
0x24: {  	_ =	swait.ge @!p1 [sflag:s15], $0x4000  }
0x25: {  	s16 =	smov.u32 s12;
	p0 =	por !p0, !p0;
	[sflag:s15] =	ssyncset.done @!p1 $0x0  }
0x26: {  	s14 =	smov.u32 s11;
	s11 =	smov.u32 s17;
	[sflag:s15] =	ssyncadd.s32 @!p1 $0xFFFFC000  }
0x27: {  	s15 =	smov.u32 s1;
	s13 =	sadd.s32 $0x1, s13;
	s12 =	smov.u32 s18  }
.LBB1_1:
0x28: {  	p1 =	sge.u32 s13, s6  }
0x29: {  	s18 =	smul.u32 @!p1 $0x18000, s12  }
0x2a: {  	s31 =	sadd.s32 $0xFFFFFFFF, s13;
	s17 =	sxor.u32 @!p1 $0xFFFFFFFF, s13;
	s19 =	sshll.u32 @!p1 s11, $0xF  }
0x2b: {  	s20 =	simm.s32 @!p1 $0x4000;
	s17 =	sshll.u32 @!p1 s17, $0xE;
	s18 =	sadd.s32 @!p1 s18, s7  }
0x2c: {  	s17 =	sand.u32 @!p1 $0x4000, s17;
	s18 =	sadd.s32 @!p1 s19, s18;
	s19 =	simm.s32 @!p1 $0x400  }
0x2d: {  	[tilespmem:s17], [sflag:$0x1] =	stream.strided.gather @!p1 [hbm4b:s18+s19], $0x4000, s20, s19, $0x38;
	[tilespmem:$0x10100] =	vst v63  }
0x2e: {  	p1 =	sge.u32 s31, s6  }
.Ltmp2:
0x2f: {  	_ = 	snop;
	(pc) =	sbr.rel @p1 .LBB1_5-.Ltmp2, $1  }
0x30: {  	_ =	sdelay $0x3  }
0x31: {  	s17 =	simm.s32 $0x1  }
0x32: {  	_ =	swait.ge [sflag:s5], $0x4000;
	s17 =	simm.s32 @!p0 $0x0  }
0x33: {  	[sflag:s5] =	ssyncset.done $0x0;
	s18 =	sshll.u32 s17, $0xE  }
0x34: {  	[sflag:s5] =	ssyncadd.s32 $0xFFFFC000;
	s20 =	sor.u32 $0x40, s18  }
0x35: {  	s17 =	smul.u32 $0x10200, s17;
	v0 =	vld [tilespmem:s20+$0x30]  }
0x36: {  	v3 =	vld [tilespmem:s20+$0xFFFFFFD0]  }
0x37: {  	s17 =	sshrl.u32 s17, $0x2;
	v4 =	vld [tilespmem:s20+$0xFFFFFFE0]  }
0x38: {  	v5 =	vld [tilespmem:s20+$0xFFFFFFF0];
	s18 =	sor.u32 $0x8000, s17  }
0x39: {  	s31 =	sand.u32 $0x1, s13;
	v1 =	vld [tilespmem:s20+$0x0];
	s19 =	sadd.s32 $0x0, s18  }
0x3a: {  	v2 =	vld [tilespmem:s20+$0x10];
	s17 =	smul.u32 $0x10200, s31;
	[tilespmem:s19+$0x3870 ss:$0x81] =	vst.msk $0xffff, v0  }
0x3b: {  	[tilespmem:s19+$0x810 ss:$0x81] =	vst.msk $0xffff, v3;
	v3 =	vld [tilespmem:s20+$0x20]  }
0x3c: {  	s17 =	sshrl.u32 s17, $0x2;
	v0 =	vld [tilespmem:s20+$0xFFFFFFC0];
	[tilespmem:s19+$0x1020 ss:$0x81] =	vst.msk $0xffff, v4;
	s20 =	sadd.s32 $0x80, s20  }
0x3d: {  	s21 =	simm.s32 $0x4;
	s22 =	simm.s32 $0x8;
	s17 =	sor.u32 $0x8000, s17;
	[tilespmem:s19+$0x1830 ss:$0x81] =	vst.msk $0xffff, v5;
	v4 =	vld [tilespmem:s20+$0x30]  }
.LBB1_3:
0x3e: {  	p1 =	sne.s32 s22, $0x1FC;
	v5 =	vld [tilespmem:s20+$0xFFFFFFD0];
	[tilespmem:s19+$0x2040 ss:$0x81] =	vst.msk $0xffff, v1  }
0x3f: {  	v6 =	vld [tilespmem:s20+$0xFFFFFFE0];
	[tilespmem:s19+$0x2850 ss:$0x81] =	vst.msk $0xffff, v2  }
0x40: {  	s23 =	sshra.s32 s21, $0x2;
	s21 =	smov.u32 s22;
	v7 =	vld [tilespmem:s20+$0xFFFFFFF0];
	[tilespmem:s19+$0x3060 ss:$0x81] =	vst.msk $0xffff, v3  }
.Ltmp3:
0x41: {  	v1 =	vld [tilespmem:s20+$0x0];
	[tilespmem:s19+$0x0 ss:$0x81] =	vst.msk $0xffff, v0;
	s19 =	sadd.s32 s23, s18;
	(pc) =	sbr.rel @p1 .LBB1_3-.Ltmp3, $4  }
0x42: {  	v2 =	vld [tilespmem:s20+$0x10];
	[tilespmem:s19+$0x3870 ss:$0x81] =	vst.msk $0xffff, v4  }
0x43: {  	[tilespmem:s19+$0x810 ss:$0x81] =	vst.msk $0xffff, v5;
	v3 =	vld [tilespmem:s20+$0x20]  }
0x44: {  	v0 =	vld [tilespmem:s20+$0xFFFFFFC0];
	[tilespmem:s19+$0x1020 ss:$0x81] =	vst.msk $0xffff, v6;
	s20 =	sadd.s32 $0x80, s20  }
0x45: {  	s22 =	sadd.s32 $0x4, s22;
	v4 =	vld [tilespmem:s20+$0x30];
	[tilespmem:s19+$0x1830 ss:$0x81] =	vst.msk $0xffff, v7  }
.Ltmp4:
0x46: {  	_ = 	snop;
	(pc) =	sbr.rel .LBB1_4-.Ltmp4, $1  }
0x47: {  	_ =	sdelay $0x3  }
.LBB1_6:
0x48: {  	_ =	sfence.sel $0x180000  }
0x49: {  	s1 =	simm.s32 $0x1;
	[bflag:$0x0] =	sbarrier.arrive $0xFFFF  }
0x4a: {  	s31 =	simm.s32 $0x2;
	[sflag:s1] =	ssyncpa.u1 $0x1  }
0x4b: {  	[sflag:s31] =	ssyncpa.u1 $0x1  }
0x4c: {  	p0 =	sne.s32 s0, $0x0;
	_ =	strace $0x90000047  }
0x4d: {  	s0 =	sadd.s32 @!p0 $0x100000, s2;
	[bflag:$0x2] =	sbarrier.arrive $0xFFFF  }
0x4e: {  	[sflag:s0] =	ssyncadd.tile.s32 @!p0 $0x1;
	_ =	shalt  }
.Lfunc_end1:
_tile_overlayer_lowered:
.L_overlay_start_2:
0x4f: {  	(tag) =	ssettag $0x2  }
0x50: {  	s0 =	rddreg [dreg:$0x0];
	s2 =	stileid.u32  }
0x51: {  	s1 =	rddreg [dreg:$0x1];
	p0 =	sne.s32 s2, $0x0  }
0x52: {  	s3 =	rddreg [dreg:$0x2];
	[bflag:$0x3] =	sbarrier.arrive $0xFFFF;
	s2 =	simm.s32 @!p0 $0x1C01  }
0x53: {  	[timem:s3], [sflag:s2] =	dma.local @!p0 [hbm:s0], s1  }
0x54: {  	s0 =	simm.s32 @!p0 $0x1  }
0x55: {  	_ =	swait.ge @!p0 [sflag:s0], s1  }
0x56: {  	s1 =	ssub.s32 @!p0 $0x0, s1;
	[sflag:s0] =	ssyncset.done @!p0 $0x0  }
0x57: {  	[sflag:s0] =	ssyncadd.s32 @!p0 s1  }
0x58: {  	[bflag:$0x3] =	sbarrier.arrive $0xFFFF  }
0x59: {  	_ =	shalt  }

// kernel: sparse-core-data-format-call.cloned.1.call-start
scs
called_computation_lowered:
.L_overlay_start_0:
0x0: {  	s2 =	sld [smem:$0x3FD9]  }
0x1: {  	s3 =	sld [smem:$0x3FFE];
	_ =	sdelay $0x1  }
0x2: {  	s1 =	srdreg.scid  }
0x3: {  	s0 =	sand.u32 $0x1, s1  }
0x4: {  	s18 =	sshll.u32 s0, $0xA;
	s2 =	sadd.s32 s3, s2  }
0x5: {  	s2 =	sadd.s32 s2, s18  }
0x6: {  	[smem:$0x3FC7] =	sst s2  }
0x7: {  	_ = 	snop  }
0x8: {  	s2 =	sld [smem:$0x3FD0];
	(tm) =	ssettm $0x1  }
0x9: {  	s19 =	sld [smem:$0x3FFB];
	_ =	sdelay $0x3  }
0xa: {  	_ =	strace s19  }
0xb: {  	s3 =	sld [smem:$0x3FFC];
	_ =	sdelay $0x3  }
0xc: {  	_ =	strace s3  }
0xd: {  	s3 =	sld [smem:$0x3FFD];
	_ =	sdelay $0x3  }
0xe: {  	_ =	strace s3  }
0xf: {  	_ =	strace $0x8FFFFFFF  }
0x10: {  	s20 =	sld [smem:$0x3FDB];
	_ =	sdelay $0x1  }
0x11: {  	s4 =	simm.s32 $_scs_section_size  }
0x12: {  	s5 =	simm.s32 $_size__tile_overlayer_lowered;
	s6 =	simm.s32 $_tile_overlayer_lowered  }
0x13: {  	s23 =	simm.s32 $0x1BFF;
	s22 =	sshll.u32 s6, $0x1;
	s3 =	sadd.s32 s4, s20  }
0x14: {  	s7 =	simm.s32 $0x0;
	s21 =	sshll.u32 s5, $0x1;
	s5 =	sadd.s32 s22, s3  }
0x15: {  	[timem:s7], [sflag:s23] =	dma.local [hbm:s5], s21  }
0x16: {  	_ =	swait.ge [sflag:s23], s21  }
0x17: {  	s4 =	ssub.s32 $0x0, s21;
	[sflag:s23] =	ssyncset.done $0x0  }
0x18: {  	[sflag:s23] =	ssyncadd.s32 s4;
	_ =	sdelay $0x1  }
0x19: {  	s24 =	simm.s32 $0x1B8B  }
0x1a: {  	_ =	swait.ge [sflag:s24], $0x1  }
0x1b: {  	[sflag:s24] =	ssyncset.done $0x0  }
0x1c: {  	s26 =	simm.s32 $0x1B8E;
	s25 =	sld [smem:$0x3FFE];
	[sflag:s24] =	ssyncadd.s32 $0xFFFFFFFF  }
0x1d: {  	s27 =	simm.s32 $execute0_lowered;
	[smem:$0x3FD2] =	sst s26  }
0x1e: {  	s5 =	sshll.u32 s27, $0x1;
	_ =	strace $0x8000004C;
	[dreg:$0x1] =	wrdreg $0xFFFFFFFF  }
0x1f: {  	s28 =	simm.s32 $_size_execute0_lowered;
	s3 =	sadd.s32 s3, s5;
	[dreg:$0x0] =	wrdreg $0x0  }
0x20: {  	s5 =	sshll.u32 s28, $0x1;
	[dreg:$0x2] =	wrdreg s3  }
0x21: {  	[dreg:$0x3] =	wrdreg s5  }
0x22: {  	[dreg:$0x4] =	wrdreg $0xC0  }
0x23: {  	_ =	task [dreg:s7], $0x5FFFF  }
0x24: {  	[dreg:$0x1] =	wrdreg $0xFFFFFFFF  }
0x25: {  	[dreg:$0x0] =	wrdreg $0x60  }
0x26: {  	[dreg:$0x2] =	wrdreg s2  }
0x27: {  	[dreg:$0x3] =	wrdreg s25  }
0x28: {  	[dreg:$0x4] =	wrdreg $0x9  }
0x29: {  	_ =	task.clear_ibuf [dreg:s7], $0x5FFFF;
	_ =	strace $0x9000004C  }
0x2a: {  	s29 =	simm.s32 $0x9;
	_ =	strace $0x8000004E  }
0x2b: {  	_ =	swait.ge [sflag:s29], $0x1  }
0x2c: {  	[sflag:s29] =	ssyncadd.s32 $0xFFFFFFFF  }
0x2d: {  	_ =	strace $0x9000004E  }
0x2e: {  	_ =	sfence  }
0x2f: {  	s30 =	sld [smem:$0x0];
	_ =	sdelay $0x2  }
0x30: {  	s31 =	sshll.u32 s1, $0xD;
	s1 =	sshrl.u32 s1, $0x2  }
0x31: {  	s3 =	sand.u32 $0x4000, s31;
	s1 =	sadd.s32 s1, s30  }
0x32: {  	s0 =	sor.u32 s3, s0;
	s1 =	sshll.u32 s1, $0x11  }
0x33: {  	s0 =	sor.u32 s1, s0  }
0x34: {  	s0 =	sadd.s32 $0x8F2B, s0  }
0x35: {  	[sflag:s0] =	ssyncadd.remote.s32 $0x1  }
0x36: {  	_ =	sfence.sel $0xFFFF  }
0x37: {  	[dreg:$0x0] =	wrdreg $0xFFFFFFFF;
	(pc) =	sbr.abs _section_cstart, $3  }
0x38: {  	[dreg:$0x1] =	wrdreg $0xFFFFFFFF  }
0x39: {  	_ =	task.clear_ibuf [dreg:s7], $0x2FFFF;
	_ =	strace $0x9FFFFFFF  }
0x3a: {  	(tm) =	ssettm $0x7FFFFFFF  }
0x3b: {  	_ =	shalt  }
tec
execute0_lowered:
.L_overlay_start_1:
0x0: {  	(tag) =	ssettag $0x1  }
0x1: {  	s0 =	rddreg [dreg:$0x0]  }
0x2: {  	s1 =	rddreg [dreg:$0x1]  }
0x3: {  	s3 =	stileid.u32;
	_ =	strace $0x8000004D;
	s2 =	srdreg.scid  }
0x4: {  	s24 =	simm.s32 $0x1;
	s26 =	simm.s32 $0x2;
	s20 =	simm.s32 $0x0  }
0x5: {  	s21 =	simm.s32 $0x0;
	s13 =	simm.s32 $0x0;
	s14 =	simm.s32 $0x0  }
0x6: {  	s15 =	simm.s32 $0x0;
	s16 =	simm.s32 $0x0;
	s17 =	simm.s32 $0x0  }
0x7: {  	s19 =	simm.s32 $0x0;
	s1 =	sadd.s32 $0x1000, s1;
	s22 =	sshrl.u32 s3, $0x1  }
0x8: {  	s6 =	sand.u32 $0x1, s3;
	s23 =	sshll.u32 s3, $0x2;
	s2 =	sshll.u32 s2, $0x6  }
0x9: {  	[sflag:s24] =	ssyncpa.u1 $0x0;
	[dreg:$0x3] =	wrdreg s1;
	s7 =	sand.u32 $0x3, s22  }
0xa: {  	s1 =	sor.u32 s23, s2;
	s25 =	ssub.s32 $0xA, s6;
	[dreg:$0x4] =	wrdreg s6  }
0xb: {  	s4 =	sshrl.u32 s25, $0x1;
	s2 =	sand.u32 $0x1, s25;
	s8 =	sand.u32 $0x60, s1  }
0xc: {  	p0 =	seq.s32 s7, $0x3;
	s28 =	smax.u32 s7, $0x2;
	s30 =	smul.u32 $0x1A00, s7  }
0xd: {  	[dreg:$0x5] =	wrdreg s7;
	s27 =	sadd.s32 s2, s4;
	s29 =	smax.u32 s8, $0x48  }
0xe: {  	s1 =	sshll.u32 s28, $0x9;
	s31 =	sshll.u32 s8, $0x6;
	[dreg:$0x6] =	wrdreg s8  }
0xf: {  	s9 =	smul.u32 $0x11, s27;
	s2 =	sxor.u32 $0x68, s29;
	s0 =	sadd.s32 s0, s30  }
.Ltmp0:
0x10: {  	s1 =	sxor.u32 $0x600, s1;
	s11 =	sadd.s32 s31, s0;
	(pc) =	sbr.rel .LBB1_1-.Ltmp0, $4  }
0x11: {  	s10 =	smul.u32 s2, s1;
	s9 =	simm.s32 @p0 $0x0;
	[dreg:$0x9] =	wrdreg s11  }
0x12: {  	[sflag:s26] =	ssyncpa.u1 $0x0;
	s22 =	simm.s32 $0x0;
	[dreg:$0x7] =	wrdreg s9  }
0x13: {  	s23 =	simm.s32 $0x0;
	s12 =	sadd.s32 $0x1, s9;
	[dreg:$0x8] =	wrdreg s10  }
0x14: {  	s18 =	smov.u32 s6;
	p0 =	por $0x0, $0x0;
	[dreg:$0xa] =	wrdreg s12  }
.LBB1_15:
0x15: {  	p1 =	sgt.s32 s13, $0x44;
	s0 =	smov.u32 s13  }
0x16: {  	s25 =	smul.u32 $0x4FB00, s16;
	s0 =	simm.s32 @!p1 $0x44  }
0x17: {  	s1 =	rddreg [dreg:$0xb];
	s2 =	smul.u32 $0xC0, s15;
	s0 =	ssub.s32 $0x64, s0  }
0x18: {  	s3 =	rddreg [dreg:$0x3];
	s0 =	smul.u32 s0, s1  }
0x19: {  	s28 =	smul.u32 $0xCC0, s13;
	s6 =	rddreg [dreg:$0x4]  }
0x1a: {  	s4 =	sshll.u32 s14, $0x6;
	s7 =	rddreg [dreg:$0x5];
	s0 =	smul.u32 s24, s0  }
0x1b: {  	s29 =	sor.u32 $0x8000, s27;
	s30 =	simm.s32 $0x200;
	s8 =	rddreg [dreg:$0x6]  }
0x1c: {  	s9 =	rddreg [dreg:$0x7];
	s1 =	sadd.s32 s3, s25;
	s0 =	smul.u32 s26, s0  }
0x1d: {  	s31 =	simm.s32 $0x6600;
	s10 =	rddreg [dreg:$0x8];
	s1 =	sadd.s32 s2, s1  }
0x1e: {  	s11 =	rddreg [dreg:$0x9];
	s1 =	sadd.s32 s4, s1;
	s0 =	sshll.u32 s0, $0x9  }
0x1f: {  	s12 =	rddreg [dreg:$0xa];
	s1 =	sadd.s32 s28, s1;
	s0 =	sand.u32 $0x3FFFFE00, s0  }
0x20: {  	[hbm4b:s1+s30] =	stream.strided.scatter [tilespmem:s29], [sflag:$0x2], s0, s31, s30, $0x38;
	[tilespmem:$0x10000] =	vst v63  }
.LBB1_16:
0x21: {  	p1 =	slt.u32 s19, $0x2  }
0x22: {  	p2 =	sgt.s32 @!p1 s23, $0x9  }
0x23: {  	s0 =	smov.u32 s23;
	s1 =	sshra.s32 @!p1 s23, $0x1F;
	p2 =	por !p2, p1  }
0x24: {  	s1 =	sand.u32 @!p1 s1, s23;
	s0 =	simm.s32 @p2 $0x9  }
0x25: {  	s0 =	ssub.s32 @!p1 s0, s1  }
0x26: {  	p3 =	sgt.s32 @!p1 s20, $0x44;
	s1 =	sadd.s32 @!p1 $0xFFFFFFF7, s0  }
0x27: {  	p4 =	sgt.s32 @!p1 s22, $0x10;
	s2 =	sshra.s32 @!p1 s22, $0x1F;
	p2 =	sgt.s32 @!p1 s1, $0x0  }
0x28: {  	p3 =	por !p3, p1;
	s0 =	ssub.s32 @!p1 $0xA, s0;
	p2 =	por !p2, p1  }
0x29: {  	s1 =	smov.u32 s22;
	s0 =	simm.s32 @!p2 $0x0;
	p2 =	por !p4, p1  }
0x2a: {  	s20 =	simm.s32 @p3 $0x44;
	s1 =	simm.s32 @p2 $0x10;
	p2 =	sgt.s32 @!p1 s21, $0x2  }
0x2b: {  	s2 =	sand.u32 @!p1 s2, s22;
	s3 =	sshll.u32 @!p1 s20, $0x9;
	p2 =	por !p2, p1  }
0x2c: {  	s1 =	ssub.s32 @!p1 s1, s2;
	s2 =	ssub.s32 @!p1 $0xC800, s3;
	s21 =	simm.s32 @p2 $0x2  }
0x2d: {  	s3 =	sadd.s32 @!p1 $0xFFFFFFF0, s1;
	s0 =	smul.u32 @!p1 s0, s2;
	s4 =	sxor.u32 @!p1 $0x3, s21  }
0x2e: {  	s4 =	simm.s32 @!p2 $0x0;
	p2 =	sgt.s32 @!p1 s3, $0x0  }
0x2f: {  	s1 =	ssub.s32 @!p1 $0x11, s1;
	p2 =	por !p2, p1;
	s0 =	smul.u32 @!p1 s4, s0  }
0x30: {  	s1 =	simm.s32 @!p2 $0x0  }
0x31: {  	s31 =	sadd.s32 $0x1, s19;
	s0 =	smul.u32 @!p1 s1, s0;
	s1 =	sadd.s32 $0x1, s17  }
0x32: {  	s3 =	sadd.s32 $0x2, s18;
	s4 =	smov.u32 s18;
	p2 =	sgt.s32 s1, $0x10  }
0x33: {  	p0 =	por !p0, !p0;
	s23 =	smov.u32 s16;
	s4 =	smov.u32 @p2 s3  }
0x34: {  	s16 =	smov.u32 s18;
	s1 =	simm.s32 @p2 $0x0;
	p2 =	sgt.s32 s4, $0x9  }
0x35: {  	s20 =	smov.u32 s13;
	s4 =	smov.u32 @p2 s6;
	p2 =	sne.s32 s19, s12  }
.Ltmp1:
0x36: {  	s13 =	smov.u32 s8;
	s22 =	smov.u32 s15;
	(pc) =	sbr.rel @!p2 .LBB1_17-.Ltmp1, $4  }
0x37: {  	s15 =	smov.u32 s17;
	s2 =	simm.s32 @!p1 $0x2;
	s0 =	sand.u32 @!p1 $0x3FFFFE00, s0  }
0x38: {  	s21 =	smov.u32 s14;
	s14 =	smov.u32 s7;
	_ =	swait.ge @!p1 [sflag:s2], s0  }
0x39: {  	s5 =	ssub.s32 @!p1 $0x0, s0;
	s17 =	smov.u32 s1;
	[sflag:s2] =	ssyncset.done @!p1 $0x0  }
0x3a: {  	s19 =	smov.u32 s31;
	[sflag:s2] =	ssyncadd.s32 @!p1 s5;
	s18 =	smov.u32 s4  }
.LBB1_1:
0x3b: {  	p1 =	sge.u32 s19, s9  }
0x3c: {  	s0 =	smov.u32 s18;
	p2 =	sgt.s32 @!p1 s18, $0x9  }
0x3d: {  	s1 =	sshra.s32 @!p1 s18, $0x1F;
	s2 =	sshra.s32 @!p1 s17, $0x1F;
	p2 =	por !p2, p1  }
0x3e: {  	s1 =	sand.u32 @!p1 s1, s18;
	s0 =	simm.s32 @p2 $0x9;
	p2 =	sgt.s32 @!p1 s17, $0x10  }
0x3f: {  	s0 =	ssub.s32 @!p1 s0, s1;
	p2 =	por !p2, p1;
	s1 =	smov.u32 s17  }
0x40: {  	s2 =	sand.u32 @!p1 s2, s17;
	s3 =	sadd.s32 @!p1 $0xFFFFFFF7, s0;
	s1 =	simm.s32 @p2 $0x10  }
0x41: {  	p2 =	sgt.s32 @!p1 s3, $0x0;
	s1 =	ssub.s32 @!p1 s1, s2  }
0x42: {  	s0 =	ssub.s32 @!p1 $0xA, s0;
	p2 =	por !p2, p1;
	s2 =	sadd.s32 @!p1 $0xFFFFFFF0, s1  }
0x43: {  	s0 =	simm.s32 @!p2 $0x0;
	p2 =	sgt.s32 @!p1 s2, $0x0;
	s2 =	smul.u32 @!p1 $0x52E00, s18  }
0x44: {  	s1 =	ssub.s32 @!p1 $0x11, s1;
	p2 =	por !p2, p1;
	s0 =	smul.u32 @!p1 s0, s10  }
0x45: {  	s3 =	smul.u32 @!p1 $0x4E00, s17;
	s1 =	simm.s32 @!p2 $0x0  }
0x46: {  	s2 =	sadd.s32 @!p1 s2, s11;
	s0 =	smul.u32 @!p1 s1, s0;
	s1 =	sxor.u32 @!p1 $0xFFFFFFFF, s19  }
0x47: {  	s31 =	sadd.s32 $0xFFFFFFFF, s19;
	s2 =	sadd.s32 @!p1 s3, s2;
	s1 =	sshll.u32 @!p1 s1, $0xE  }
0x48: {  	s3 =	simm.s32 @!p1 $0x0;
	s1 =	sand.u32 @!p1 $0x4000, s1;
	s0 =	sand.u32 @!p1 $0x3FFFF000, s0  }
0x49: {  	[tilespmem:s1], [sflag:$0x1] =	stream.linear.gather @!p1 [hbm4b:s2+s3], s0, $0x38;
	[tilespmem:$0x10000] =	vst v63  }
0x4a: {  	p1 =	sge.u32 s31, s9  }
.Ltmp2:
0x4b: {  	_ = 	snop;
	(pc) =	sbr.rel @p1 .LBB1_16-.Ltmp2, $1  }
0x4c: {  	_ =	sdelay $0x3  }
0x4d: {  	p1 =	sgt.s32 s16, $0x9;
	s0 =	smov.u32 s16;
	s1 =	sshra.s32 s16, $0x1F  }
0x4e: {  	s0 =	simm.s32 @!p1 $0x9;
	s1 =	sand.u32 s1, s16  }
0x4f: {  	s0 =	ssub.s32 s0, s1  }
0x50: {  	p2 =	sgt.s32 s14, $0x2;
	s2 =	sshra.s32 s15, $0x1F;
	s1 =	sadd.s32 $0xFFFFFFF7, s0  }
0x51: {  	s24 =	ssub.s32 $0xA, s0;
	s0 =	smov.u32 s15;
	p1 =	sgt.s32 s1, $0x0  }
0x52: {  	s1 =	smov.u32 s14;
	s24 =	simm.s32 @p1 $0x0;
	p1 =	sgt.s32 s15, $0x10  }
0x53: {  	s2 =	sand.u32 s2, s15;
	s1 =	simm.s32 @!p2 $0x2;
	s0 =	simm.s32 @!p1 $0x10  }
0x54: {  	s3 =	sxor.u32 $0x3, s1;
	p1 =	sgt.s32 s13, $0x48;
	s1 =	smov.u32 s13  }
0x55: {  	s0 =	ssub.s32 s0, s2;
	s1 =	simm.s32 @!p1 $0x48;
	s11 =	smul.u32 s3, s24  }
0x56: {  	s12 =	sadd.s32 $0xFFFFFFF0, s0;
	s1 =	ssub.s32 $0x68, s1;
	s26 =	ssub.s32 $0x11, s0  }
0x57: {  	p1 =	sgt.s32 s12, $0x0;
	s25 =	smul.u32 s1, s11;
	s1 =	sadd.s32 $0x1, s16  }
0x58: {  	s26 =	simm.s32 @p1 $0x0;
	p1 =	slt.s32 s1, $0xA  }
0x59: {  	s1 =	simm.s32 @!p1 $0xA  }
0x5a: {  	s0 =	smul.u32 s26, s25;
	s28 =	ssub.s32 s1, s16  }
0x5b: {  	p1 =	slt.s32 s28, $0x1  }
.Ltmp3:
0x5c: {  	s0 =	sshll.u32 s0, $0x9;
	(pc) =	sbr.rel @p1 .LBB1_15-.Ltmp3, $4  }
0x5d: {  	s30 =	simm.s32 $0x1;
	[dreg:$0xb] =	wrdreg s3;
	s0 =	sand.u32 $0x3FFFFE00, s0  }
0x5e: {  	_ =	swait.ge [sflag:s30], s0  }
0x5f: {  	s31 =	sshll.u32 s19, $0xE;
	s29 =	ssub.s32 $0x0, s0;
	[sflag:s30] =	ssyncset.done $0x0  }
0x60: {  	s27 =	sand.u32 $0x4000, s31;
	[sflag:s30] =	ssyncadd.s32 s29  }
0x61: {  	s0 =	simm.s32 $0x1  }
0x62: {  	s1 =	sadd.s32 $0x1, s15;
	p2 =	slt.s32 s13, $0x44;
	s0 =	simm.s32 @!p0 $0x0  }
0x63: {  	s2 =	smov.u32 s14;
	p6 =	seq.s32 s14, $0x3;
	s0 =	sshll.u32 s0, $0xE  }
0x64: {  	p1 =	slt.s32 s1, $0x11;
	s3 =	sor.u32 $0x8100, s0;
	s0 =	smov.u32 s13  }
.Ltmp4:
0x65: {  	s1 =	simm.s32 @!p1 $0x11;
	s0 =	simm.s32 @!p2 $0x44;
	(pc) =	sbr.rel .LBB1_4-.Ltmp4, $4  }
0x66: {  	p1 =	slt.s32 s14, $0x2;
	s30 =	ssub.s32 s1, s15;
	s0 =	ssub.s32 s0, s13  }
0x67: {  	s2 =	simm.s32 @!p1 $0x2;
	p5 =	slt.s32 s30, $0x1;
	p3 =	slt.s32 s0, $0xFFFFFFE1  }
0x68: {  	s1 =	simm.s32 $0x0;
	s29 =	ssub.s32 s2, s14;
	p1 =	por p5, p3  }
0x69: {  	s31 =	sadd.s32 $0x20, s0;
	s0 =	sadd.s32 $0x1, s29;
	p1 =	por p1, p6  }
.LBB1_14:
0x6a: {  	s1 =	sadd.s32 $0x1, s1  }
0x6b: {  	p2 =	sne.s32 s1, s28  }
.Ltmp5:
0x6c: {  	_ = 	snop;
	(pc) =	sbr.rel @!p2 .LBB1_15-.Ltmp5, $2  }
0x6d: {  	_ =	sdelay $0x2  }
0x6e: {  	s3 =	sadd.s32 $0x4000, s3  }
.LBB1_4:
.Ltmp6:
0x6f: {  	(pc) =	sbr.rel @p1 .LBB1_14-.Ltmp6, $1  }
0x70: {  	_ =	sdelay $0x3  }
.Ltmp7:
0x71: {  	(pc) =	sbr.rel .LBB1_6-.Ltmp7, $2  }
0x72: {  	_ =	sdelay $0x2  }
0x73: {  	s11 =	simm.s32 $0x0;
	s5 =	smov.u32 s3  }
.LBB1_13:
0x74: {  	s11 =	sadd.s32 $0x1, s11  }
0x75: {  	p2 =	sne.s32 s11, s30  }
.Ltmp8:
0x76: {  	_ = 	snop;
	(pc) =	sbr.rel @!p2 .LBB1_14-.Ltmp8, $2  }
0x77: {  	_ =	sdelay $0x2  }
0x78: {  	s5 =	sadd.s32 $0x200, s5  }
.LBB1_6:
0x79: {  	s2 =	sadd.s32 s1, s11;
	s12 =	smov.u32 s5;
	s8 =	simm.s32 $0x0  }
.LBB1_7:
0x7a: {  	s4 =	sadd.s32 s8, s2  }
0x7b: {  	s4 =	sshll.u32 s4, $0xE  }
0x7c: {  	p3 =	sne.s32 s31, $0x1;
	s6 =	sadd.s32 s4, s27  }
.Ltmp9:
0x7d: {  	v0 =	vmov s6;
	(pc) =	sbr.rel @!p3 .LBB1_8-.Ltmp9, $3  }
0x7e: {  	_ =	sdelay $0x1  }
0x7f: {  	s10 =	simm.s32 $0x0;
	p2 =	por $0x0, $0x0  }
0x80: {  	s7 =	sand.u32 $0xFFFFF000, s10;
	s25 =	sand.u32 $0x380, s10;
	v1 =	vmov s4;
	s4 =	sadd.s32 $0xFFFFFFFF, s31  }
0x81: {  	_ =	sdelay $0x1  }
0x82: {  	s6 =	sor.u32 s25, s7  }
0x83: {  	s9 =	sand.u32 $0x3380, s6  }
0x84: {  	v2 =	vld.idx.msk [tilespmem:v0+s9+$0x410 ss:$0x1], $0xffff  }
0x85: {  	v3 =	vld.idx.msk [tilespmem:v0+s9+$0x420 ss:$0x1], $0xffff  }
0x86: {  	s7 =	sand.u32 $0x3200, s6;
	v11 =	vld.idx.msk [tilespmem:v0+s9+$0x820 ss:$0x1], $0xffff  }
0x87: {  	s25 =	sand.u32 $0x180, s10;
	s7 =	sadd.s32 s7, s27;
	v12 =	vld.idx.msk [tilespmem:v0+s9+$0x830 ss:$0x1], $0xffff  }
0x88: {  	v13 =	vld.idx.msk [tilespmem:v0+s9+$0x840 ss:$0x1], $0xffff;
	s6 =	sadd.s32 s25, s7  }
0x89: {  	v4 =	vld.idx.msk [tilespmem:v1+s6+$0xC00 ss:$0x1], $0xffff  }
0x8a: {  	v5 =	vld.idx.msk [tilespmem:v1+s6+$0x0 ss:$0x1], $0xffff  }
0x8b: {  	v6 =	vld.idx.msk [tilespmem:v1+s6+$0x10 ss:$0x1], $0xffff  }
0x8c: {  	v7 =	vld.idx.msk [tilespmem:v1+s6+$0x20 ss:$0x1], $0xffff;
	[tilespmem:s12+$0xFFFFFF90] =	vst v2  }
0x8d: {  	v8 =	vld.idx.msk [tilespmem:v1+s6+$0x30 ss:$0x1], $0xffff;
	[tilespmem:s12+$0xFFFFFFA0] =	vst v3  }
0x8e: {  	v9 =	vld.idx.msk [tilespmem:v1+s6+$0x40 ss:$0x1], $0xffff;
	[tilespmem:s12+$0x20] =	vst v11  }
0x8f: {  	v10 =	vld.idx.msk [tilespmem:v1+s6+$0x50 ss:$0x1], $0xffff;
	[tilespmem:s12+$0x30] =	vst v12  }
0x90: {  	v2 =	vld.idx.msk [tilespmem:v0+s9+$0xC10 ss:$0x1], $0xffff;
	[tilespmem:s12+$0x40] =	vst v13  }
0x91: {  	v3 =	vld.idx.msk [tilespmem:v0+s9+$0xC20 ss:$0x1], $0xffff;
	[tilespmem:s12+$0x80] =	vst v4  }
0x92: {  	[tilespmem:s12+$0xFFFFFF00] =	vst v5;
	v4 =	vld.idx.msk [tilespmem:v1+s6+$0x60 ss:$0x1], $0xffff  }
0x93: {  	[tilespmem:s12+$0xFFFFFF10] =	vst v6;
	v5 =	vld.idx.msk [tilespmem:v1+s6+$0x70 ss:$0x1], $0xffff  }
0x94: {  	[tilespmem:s12+$0xFFFFFF20] =	vst v7;
	v6 =	vld.idx.msk [tilespmem:v1+s6+$0x400 ss:$0x1], $0xffff  }
0x95: {  	[tilespmem:s12+$0xFFFFFF30] =	vst v8;
	v7 =	vld.idx.msk [tilespmem:v1+s6+$0x800 ss:$0x1], $0xffff  }
0x96: {  	[tilespmem:s12+$0xFFFFFF40] =	vst v9;
	v8 =	vld.idx.msk [tilespmem:v0+s9+$0x430 ss:$0x1], $0xffff  }
0x97: {  	[tilespmem:s12+$0xFFFFFF50] =	vst v10;
	v9 =	vld.idx.msk [tilespmem:v0+s9+$0x440 ss:$0x1], $0xffff  }
0x98: {  	v10 =	vld.idx.msk [tilespmem:v0+s9+$0x470 ss:$0x1], $0xffff;
	[tilespmem:s12+$0xFFFFFF60] =	vst v4  }
0x99: {  	v4 =	vld.idx.msk [tilespmem:v0+s9+$0x450 ss:$0x1], $0xffff;
	[tilespmem:s12+$0xFFFFFF70] =	vst v5  }
0x9a: {  	v5 =	vld.idx.msk [tilespmem:v0+s9+$0x460 ss:$0x1], $0xffff;
	[tilespmem:s12+$0xFFFFFF80] =	vst v6  }
0x9b: {  	[tilespmem:s12+$0x0] =	vst v7;
	v7 =	vld.idx.msk [tilespmem:v0+s9+$0x810 ss:$0x1], $0xffff  }
0x9c: {  	p3 =	sne.s32 s4, $0x1;
	[tilespmem:s12+$0xFFFFFFB0] =	vst v8;
	v6 =	vld.idx.msk [tilespmem:v0+s9+$0x850 ss:$0x1], $0xffff  }
.Ltmp10:
0x9d: {  	[tilespmem:s12+$0xFFFFFFC0] =	vst v9;
	v8 =	vld.idx.msk [tilespmem:v0+s9+$0x860 ss:$0x1], $0xffff;
	(pc) =	sbr.rel @!p3 .LBB1_10-.Ltmp10, $4  }
0x9e: {  	[tilespmem:s12+$0xFFFFFFF0] =	vst v10;
	v9 =	vld.idx.msk [tilespmem:v0+s9+$0xC50 ss:$0x1], $0xffff  }
0x9f: {  	s10 =	simm.s32 $0x80;
	[tilespmem:s12+$0xFFFFFFE0] =	vst v5;
	v5 =	vld.idx.msk [tilespmem:v0+s9+$0x870 ss:$0x1], $0xffff  }
0xa0: {  	s4 =	sadd.s32 $0xFFFFFFFF, s4;
	p2 =	por $0x1, $0x1;
	s6 =	simm.s32 $0x200;
	[tilespmem:s12+$0xFFFFFFD0] =	vst v4;
	v4 =	vld.idx.msk [tilespmem:v0+s9+$0xC30 ss:$0x1], $0xffff  }
0xa1: {  	s29 =	smov.u32 s12;
	s25 =	sand.u32 $0x380, s10;
	s7 =	sand.u32 $0xFFFFF000, s6;
	[tilespmem:s12+$0x10] =	vst v7;
	v7 =	vld.idx.msk [tilespmem:v0+s9+$0xC40 ss:$0x1], $0xffff  }
.LBB1_11:
0xa2: {  	p3 =	sne.s32 s4, $0x1;
	s7 =	sor.u32 s25, s7;
	[tilespmem:s29+$0x50] =	vst v6;
	v6 =	vld.idx.msk [tilespmem:v0+s9+$0xC60 ss:$0x1], $0xffff  }
0xa3: {  	s25 =	sand.u32 $0x3200, s7;
	[tilespmem:s29+$0x60] =	vst v8;
	v8 =	vld.idx.msk [tilespmem:v0+s9+$0xC70 ss:$0x1], $0xffff;
	s9 =	sand.u32 $0x3380, s7  }
0xa4: {  	s7 =	sand.u32 $0x180, s10;
	s25 =	sadd.s32 s25, s27;
	v10 =	vld.idx.msk [tilespmem:v0+s9+$0x410 ss:$0x1], $0xffff;
	[tilespmem:s29+$0x70] =	vst v5  }
0xa5: {  	s7 =	sadd.s32 s7, s25;
	v5 =	vld.idx.msk [tilespmem:v0+s9+$0x420 ss:$0x1], $0xffff;
	[tilespmem:s29+$0x90] =	vst v2  }
0xa6: {  	v2 =	vld.idx.msk [tilespmem:v1+s7+$0xC00 ss:$0x1], $0xffff;
	[tilespmem:s29+$0xA0] =	vst v3  }
0xa7: {  	v3 =	vld.idx.msk [tilespmem:v1+s7+$0x0 ss:$0x1], $0xffff;
	[tilespmem:s29+$0xB0] =	vst v4  }
0xa8: {  	v4 =	vld.idx.msk [tilespmem:v1+s7+$0x10 ss:$0x1], $0xffff;
	[tilespmem:s29+$0xC0] =	vst v7  }
0xa9: {  	v7 =	vld.idx.msk [tilespmem:v1+s7+$0x20 ss:$0x1], $0xffff;
	[tilespmem:s29+$0xD0] =	vst v9  }
0xaa: {  	v9 =	vld.idx.msk [tilespmem:v1+s7+$0x30 ss:$0x1], $0xffff;
	[tilespmem:s29+$0xE0] =	vst v6  }
0xab: {  	v6 =	vld.idx.msk [tilespmem:v1+s7+$0x40 ss:$0x1], $0xffff;
	[tilespmem:s29+$0xF0] =	vst v8;
	s29 =	sadd.s32 $0x200, s29  }
0xac: {  	v8 =	vld.idx.msk [tilespmem:v1+s7+$0x50 ss:$0x1], $0xffff;
	[tilespmem:s29+$0x80] =	vst v2  }
0xad: {  	[tilespmem:s29+$0xFFFFFF00] =	vst v3;
	v2 =	vld.idx.msk [tilespmem:v1+s7+$0x60 ss:$0x1], $0xffff  }
0xae: {  	[tilespmem:s29+$0xFFFFFF10] =	vst v4;
	v3 =	vld.idx.msk [tilespmem:v1+s7+$0x70 ss:$0x1], $0xffff  }
0xaf: {  	[tilespmem:s29+$0xFFFFFF20] =	vst v7;
	v4 =	vld.idx.msk [tilespmem:v1+s7+$0x400 ss:$0x1], $0xffff  }
0xb0: {  	[tilespmem:s29+$0xFFFFFF30] =	vst v9;
	v7 =	vld.idx.msk [tilespmem:v1+s7+$0x800 ss:$0x1], $0xffff  }
0xb1: {  	[tilespmem:s29+$0xFFFFFF40] =	vst v6;
	v6 =	vld.idx.msk [tilespmem:v0+s9+$0x430 ss:$0x1], $0xffff  }
0xb2: {  	[tilespmem:s29+$0xFFFFFF50] =	vst v8;
	v8 =	vld.idx.msk [tilespmem:v0+s9+$0x440 ss:$0x1], $0xffff  }
0xb3: {  	[tilespmem:s29+$0xFFFFFF60] =	vst v2;
	v2 =	vld.idx.msk [tilespmem:v0+s9+$0x450 ss:$0x1], $0xffff  }
0xb4: {  	[tilespmem:s29+$0xFFFFFF70] =	vst v3;
	v3 =	vld.idx.msk [tilespmem:v0+s9+$0x460 ss:$0x1], $0xffff  }
0xb5: {  	[tilespmem:s29+$0xFFFFFF80] =	vst v4;
	v4 =	vld.idx.msk [tilespmem:v0+s9+$0x470 ss:$0x1], $0xffff  }
0xb6: {  	[tilespmem:s29+$0x0] =	vst v7;
	v7 =	vld.idx.msk [tilespmem:v0+s9+$0x810 ss:$0x1], $0xffff  }
0xb7: {  	[tilespmem:s29+$0xFFFFFF90] =	vst v10;
	v9 =	vld.idx.msk [tilespmem:v0+s9+$0x820 ss:$0x1], $0xffff  }
0xb8: {  	[tilespmem:s29+$0xFFFFFFA0] =	vst v5;
	v10 =	vld.idx.msk [tilespmem:v0+s9+$0x830 ss:$0x1], $0xffff  }
0xb9: {  	[tilespmem:s29+$0xFFFFFFB0] =	vst v6;
	v11 =	vld.idx.msk [tilespmem:v0+s9+$0x840 ss:$0x1], $0xffff  }
0xba: {  	[tilespmem:s29+$0xFFFFFFC0] =	vst v8;
	v6 =	vld.idx.msk [tilespmem:v0+s9+$0x850 ss:$0x1], $0xffff  }
0xbb: {  	[tilespmem:s29+$0xFFFFFFD0] =	vst v2;
	v8 =	vld.idx.msk [tilespmem:v0+s9+$0x860 ss:$0x1], $0xffff  }
0xbc: {  	[tilespmem:s29+$0xFFFFFFE0] =	vst v3;
	v5 =	vld.idx.msk [tilespmem:v0+s9+$0x870 ss:$0x1], $0xffff  }
.Ltmp11:
0xbd: {  	[tilespmem:s29+$0xFFFFFFF0] =	vst v4;
	v2 =	vld.idx.msk [tilespmem:v0+s9+$0xC10 ss:$0x1], $0xffff;
	(pc) =	sbr.rel @p3 .LBB1_11-.Ltmp11, $4  }
0xbe: {  	[tilespmem:s29+$0x10] =	vst v7;
	v3 =	vld.idx.msk [tilespmem:v0+s9+$0xC20 ss:$0x1], $0xffff  }
0xbf: {  	[tilespmem:s29+$0x20] =	vst v9;
	v4 =	vld.idx.msk [tilespmem:v0+s9+$0xC30 ss:$0x1], $0xffff  }
0xc0: {  	s6 =	sadd.s32 $0x200, s6;
	s10 =	sadd.s32 $0x80, s10;
	[tilespmem:s29+$0x30] =	vst v10;
	v7 =	vld.idx.msk [tilespmem:v0+s9+$0xC40 ss:$0x1], $0xffff  }
0xc1: {  	s4 =	sadd.s32 $0xFFFFFFFF, s4;
	s25 =	sand.u32 $0x380, s10;
	s7 =	sand.u32 $0xFFFFF000, s6;
	[tilespmem:s29+$0x40] =	vst v11;
	v9 =	vld.idx.msk [tilespmem:v0+s9+$0xC50 ss:$0x1], $0xffff  }
.LBB1_12:
0xc2: {  	_ = 	snop  }
0xc3: {  	[tilespmem:s29+$0x50] =	vst @p2 v6  }
0xc4: {  	[tilespmem:s29+$0x60] =	vst @p2 v8  }
0xc5: {  	[tilespmem:s29+$0x70] =	vst @p2 v5  }
0xc6: {  	s6 =	sor.u32 s25, s7;
	v5 =	vld.idx.msk @p2 [tilespmem:v0+s9+$0xC60 ss:$0x1], $0xffff;
	[tilespmem:s29+$0x90] =	vst @p2 v2  }
0xc7: {  	v2 =	vld.idx.msk @p2 [tilespmem:v0+s9+$0xC70 ss:$0x1], $0xffff;
	s4 =	sand.u32 $0x3200, s6;
	[tilespmem:s29+$0xA0] =	vst @p2 v3;
	s6 =	sand.u32 $0x3380, s6  }
0xc8: {  	[tilespmem:s29+$0xB0] =	vst @p2 v4;
	v43 =	vld.idx.msk [tilespmem:v0+s6+$0x410 ss:$0x1], $0xffff  }
0xc9: {  	v44 =	vld.idx.msk [tilespmem:v0+s6+$0x420 ss:$0x1], $0xffff;
	[tilespmem:s29+$0xC0] =	vst @p2 v7  }
0xca: {  	s25 =	sand.u32 $0x180, s10;
	s4 =	sadd.s32 s4, s27;
	v45 =	vld.idx.msk [tilespmem:v0+s6+$0x430 ss:$0x1], $0xffff;
	[tilespmem:s29+$0xD0] =	vst @p2 v9  }
0xcb: {  	s9 =	sadd.s32 @p2 $0x200, s29;
	v46 =	vld.idx.msk [tilespmem:v0+s6+$0x440 ss:$0x1], $0xffff;
	s7 =	sadd.s32 s25, s4;
	s4 =	smov.u32 s12;
	[tilespmem:s29+$0xE0] =	vst @p2 v5  }
0xcc: {  	v47 =	vld.idx.msk [tilespmem:v0+s6+$0x450 ss:$0x1], $0xffff;
	s4 =	smov.u32 @p2 s9;
	[tilespmem:s29+$0xF0] =	vst @p2 v2  }
0xcd: {  	v48 =	vld.idx.msk [tilespmem:v0+s6+$0x460 ss:$0x1], $0xffff;
	[tilespmem:s4+$0xFFFFFF90] =	vst v43  }
0xce: {  	v49 =	vld.idx.msk [tilespmem:v0+s6+$0x470 ss:$0x1], $0xffff;
	[tilespmem:s4+$0xFFFFFFA0] =	vst v44  }
0xcf: {  	v50 =	vld.idx.msk [tilespmem:v0+s6+$0x810 ss:$0x1], $0xffff;
	[tilespmem:s4+$0xFFFFFFB0] =	vst v45  }
0xd0: {  	v51 =	vld.idx.msk [tilespmem:v0+s6+$0x820 ss:$0x1], $0xffff;
	[tilespmem:s4+$0xFFFFFFC0] =	vst v46  }
0xd1: {  	v52 =	vld.idx.msk [tilespmem:v0+s6+$0x830 ss:$0x1], $0xffff;
	[tilespmem:s4+$0xFFFFFFD0] =	vst v47  }
0xd2: {  	v53 =	vld.idx.msk [tilespmem:v0+s6+$0x840 ss:$0x1], $0xffff;
	[tilespmem:s4+$0xFFFFFFE0] =	vst v48  }
0xd3: {  	v54 =	vld.idx.msk [tilespmem:v0+s6+$0x850 ss:$0x1], $0xffff;
	[tilespmem:s4+$0xFFFFFFF0] =	vst v49  }
0xd4: {  	v55 =	vld.idx.msk [tilespmem:v0+s6+$0x860 ss:$0x1], $0xffff;
	[tilespmem:s4+$0x10] =	vst v50  }
0xd5: {  	v56 =	vld.idx.msk [tilespmem:v0+s6+$0x870 ss:$0x1], $0xffff;
	[tilespmem:s4+$0x20] =	vst v51  }
0xd6: {  	v57 =	vld.idx.msk [tilespmem:v0+s6+$0xC10 ss:$0x1], $0xffff;
	[tilespmem:s4+$0x30] =	vst v52  }
0xd7: {  	v58 =	vld.idx.msk [tilespmem:v0+s6+$0xC20 ss:$0x1], $0xffff;
	[tilespmem:s4+$0x40] =	vst v53  }
0xd8: {  	v59 =	vld.idx.msk [tilespmem:v0+s6+$0xC30 ss:$0x1], $0xffff;
	[tilespmem:s4+$0x50] =	vst v54  }
0xd9: {  	v60 =	vld.idx.msk [tilespmem:v0+s6+$0xC40 ss:$0x1], $0xffff;
	[tilespmem:s4+$0x60] =	vst v55  }
0xda: {  	v61 =	vld.idx.msk [tilespmem:v0+s6+$0xC50 ss:$0x1], $0xffff;
	[tilespmem:s4+$0x70] =	vst v56  }
0xdb: {  	v62 =	vld.idx.msk [tilespmem:v0+s6+$0xC60 ss:$0x1], $0xffff;
	[tilespmem:s4+$0x90] =	vst v57  }
0xdc: {  	v63 =	vld.idx.msk [tilespmem:v0+s6+$0xC70 ss:$0x1], $0xffff;
	[tilespmem:s4+$0xA0] =	vst v58  }
0xdd: {  	v32 =	vld.idx.msk [tilespmem:v1+s7+$0xC00 ss:$0x1], $0xffff;
	[tilespmem:s4+$0xB0] =	vst v59  }
0xde: {  	v33 =	vld.idx.msk [tilespmem:v1+s7+$0x0 ss:$0x1], $0xffff;
	[tilespmem:s4+$0xC0] =	vst v60  }
0xdf: {  	v34 =	vld.idx.msk [tilespmem:v1+s7+$0x10 ss:$0x1], $0xffff;
	[tilespmem:s4+$0xD0] =	vst v61  }
0xe0: {  	v35 =	vld.idx.msk [tilespmem:v1+s7+$0x20 ss:$0x1], $0xffff;
	[tilespmem:s4+$0xE0] =	vst v62  }
0xe1: {  	v36 =	vld.idx.msk [tilespmem:v1+s7+$0x30 ss:$0x1], $0xffff;
	[tilespmem:s4+$0xF0] =	vst v63  }
0xe2: {  	v37 =	vld.idx.msk [tilespmem:v1+s7+$0x40 ss:$0x1], $0xffff;
	[tilespmem:s4+$0x80] =	vst v32  }
0xe3: {  	v38 =	vld.idx.msk [tilespmem:v1+s7+$0x50 ss:$0x1], $0xffff;
	[tilespmem:s4+$0xFFFFFF00] =	vst v33  }
0xe4: {  	v39 =	vld.idx.msk [tilespmem:v1+s7+$0x60 ss:$0x1], $0xffff;
	[tilespmem:s4+$0xFFFFFF10] =	vst v34  }
0xe5: {  	v40 =	vld.idx.msk [tilespmem:v1+s7+$0x70 ss:$0x1], $0xffff;
	[tilespmem:s4+$0xFFFFFF20] =	vst v35  }
0xe6: {  	s8 =	sadd.s32 $0x1, s8;
	v41 =	vld.idx.msk [tilespmem:v1+s7+$0x400 ss:$0x1], $0xffff;
	[tilespmem:s4+$0xFFFFFF30] =	vst v36  }
0xe7: {  	v42 =	vld.idx.msk [tilespmem:v1+s7+$0x800 ss:$0x1], $0xffff;
	p2 =	sne.s32 s8, s0;
	[tilespmem:s4+$0xFFFFFF40] =	vst v37  }
.Ltmp12:
0xe8: {  	[tilespmem:s4+$0xFFFFFF50] =	vst v38;
	(pc) =	sbr.rel @p2 .LBB1_7-.Ltmp12, $4  }
.Ltmp13:
0xe9: {  	[tilespmem:s4+$0xFFFFFF60] =	vst v39;
	(pc) =	sbr.rel @!p2 .LBB1_13-.Ltmp13, $4  }
0xea: {  	[tilespmem:s4+$0xFFFFFF70] =	vst v40  }
0xeb: {  	[tilespmem:s4+$0xFFFFFF80] =	vst v41  }
0xec: {  	s12 =	sadd.s32 $0x200, s12;
	[tilespmem:s4+$0x0] =	vst v42  }
0xed: {  	_ = 	snop  }
.LBB1_8:
.Ltmp14:
0xee: {  	(pc) =	sbr.rel .LBB1_12-.Ltmp14, $2  }
0xef: {  	_ =	sdelay $0x2  }
0xf0: {  	s29 =	smov.u32 s12  }
.LBB1_10:
.Ltmp15:
0xf1: {  	(pc) =	sbr.rel .LBB1_12-.Ltmp15, $2  }
0xf2: {  	_ =	sdelay $0x2  }
0xf3: {  	s29 =	smov.u32 s12  }
.LBB1_17:
0xf4: {  	_ =	sfence.sel $0x180000  }
0xf5: {  	s0 =	simm.s32 $0x1;
	[bflag:$0x0] =	sbarrier.arrive $0xFFFF  }
0xf6: {  	s30 =	simm.s32 $0x2;
	[sflag:s0] =	ssyncpa.u1 $0x1  }
0xf7: {  	[sflag:s30] =	ssyncpa.u1 $0x1  }
0xf8: {  	_ =	strace $0x9000004D  }
0xf9: {  	s31 =	stileid.u32;
	[bflag:$0x2] =	sbarrier.arrive $0xFFFF  }
0xfa: {  	p0 =	sne.s32 s31, $0x0;
	s0 =	rddreg [dreg:$0x2]  }
0xfb: {  	s0 =	sadd.s32 @!p0 $0x100000, s0  }
0xfc: {  	[sflag:s0] =	ssyncadd.tile.s32 @!p0 $0x1;
	_ =	shalt  }
.Lfunc_end1:
_tile_overlayer_lowered:
.L_overlay_start_2:
0xfd: {  	(tag) =	ssettag $0x2  }
0xfe: {  	s0 =	rddreg [dreg:$0x0];
	s2 =	stileid.u32  }
0xff: {  	s1 =	rddreg [dreg:$0x1];
	p0 =	sne.s32 s2, $0x0  }
0x100: {  	s3 =	rddreg [dreg:$0x2];
	[bflag:$0x3] =	sbarrier.arrive $0xFFFF;
	s2 =	simm.s32 @!p0 $0x1C01  }
0x101: {  	[timem:s3], [sflag:s2] =	dma.local @!p0 [hbm:s0], s1  }
0x102: {  	s0 =	simm.s32 @!p0 $0x1  }
0x103: {  	_ =	swait.ge @!p0 [sflag:s0], s1  }
0x104: {  	s1 =	ssub.s32 @!p0 $0x0, s1;
	[sflag:s0] =	ssyncset.done @!p0 $0x0  }
0x105: {  	[sflag:s0] =	ssyncadd.s32 @!p0 s1  }
0x106: {  	[bflag:$0x3] =	sbarrier.arrive $0xFFFF  }
0x107: {  	_ =	shalt  }

</sc_bundles>
